<compile_context>
chip_gen: v7x
topology: tpu7x:2x2x1
jax: 0.10.2.dev20260603
libtpu: 0.0.44.dev20260713+nightly
codegen_flags: <defaults>
</compile_context>

<pallas_src>
import jax
import jax.numpy as jnp
from jax import lax
from jax.experimental import pallas as pl
from jax.experimental.pallas import tpu as pltpu
from jax.experimental.pallas import tpu_sc as plsc

N_NODES = 10000
N_EDGES = 320000
D = 128

NC = 2
NS = 16
NW = NC * NS
CHUNK = 128
NCH0 = 152
NCH1 = 8
PH = 72
PHASE_CHUNKS = ((72, 8), (72, 0), (8, 0))
NCH_MAX = 216
E_PAD = NS * (NCH0 + NCH1) * CHUNK
H_ROWS = 10240
RPS_A = 624
RPS_LAST = N_NODES - (NS - 1) * RPS_A


def _matmul_body(x_ref, w_ref, o_ref):
    o_ref[...] = jnp.dot(x_ref[...], w_ref[...],
                         preferred_element_type=jnp.float32)


def _matmul(x_pad, W):
    return pl.pallas_call(
        _matmul_body,
        grid=(10,),
        in_specs=[
            pl.BlockSpec((H_ROWS // 10, D), lambda i: (i, 0)),
            pl.BlockSpec((D, D), lambda i: (0, 0)),
        ],
        out_specs=pl.BlockSpec((H_ROWS // 10, D), lambda i: (i, 0)),
        out_shape=jax.ShapeDtypeStruct((H_ROWS, D), jnp.float32),
    )(x_pad, W)


def _sc_body(h_hbm, src_hbm, dst_hbm, z_hbm, out_hbm,
             src_v, dst_v, rows_v, acc_sh, sem):
    cid = lax.axis_index("c")
    sid = lax.axis_index("s")
    wid = cid * NS + sid

    @pl.when(sid < NS - 1)
    def _():
        pltpu.sync_copy(z_hbm.at[pl.ds(sid * RPS_A, RPS_A)],
                        acc_sh.at[pl.ds(sid * RPS_A, RPS_A)])

    @pl.when(sid == NS - 1)
    def _():
        pltpu.sync_copy(z_hbm.at[pl.ds((NS - 1) * RPS_A, RPS_LAST)],
                        acc_sh.at[pl.ds((NS - 1) * RPS_A, RPS_LAST)])

    plsc.subcore_barrier()

    def chunk(j, carry):
        pltpu.async_copy(h_hbm.at[src_v.at[j]], rows_v, sem).wait()
        pltpu.sync_copy(rows_v, acc_sh.at[dst_v.at[j]], add=True)
        return carry

    for p, (n0p, n1p) in enumerate(PHASE_CHUNKS):
        pltpu.sync_copy(src_hbm.at[wid, pl.ds(p * PH, PH)], src_v)
        pltpu.sync_copy(dst_hbm.at[wid, pl.ds(p * PH, PH)], dst_v)
        lax.fori_loop(0, jnp.where(cid == 0, n0p, n1p), chunk, 0)
    plsc.subcore_barrier()

    @pl.when(sid < NS - 1)
    def _():
        pltpu.sync_copy(acc_sh.at[pl.ds(sid * RPS_A, RPS_A)],
                        out_hbm.at[cid, pl.ds(sid * RPS_A, RPS_A)])

    @pl.when(sid == NS - 1)
    def _():
        pltpu.sync_copy(acc_sh.at[pl.ds((NS - 1) * RPS_A, RPS_LAST)],
                        out_hbm.at[cid, pl.ds((NS - 1) * RPS_A, RPS_LAST)])


def _sc_aggregate(h, srcm, dstm, zeros):
    mesh = plsc.VectorSubcoreMesh(core_axis_name="c", subcore_axis_name="s",
                                  num_cores=NC, num_subcores=NS)
    fn = pl.kernel(
        _sc_body,
        out_type=jax.ShapeDtypeStruct((NC, N_NODES, D), jnp.float32),
        mesh=mesh,
        scratch_types=[
            pltpu.VMEM((PH, CHUNK), jnp.int32),
            pltpu.VMEM((PH, CHUNK), jnp.int32),
            pltpu.VMEM((CHUNK, D), jnp.float32),
            pltpu.VMEM_SHARED((N_NODES, D), jnp.float32),
            pltpu.SemaphoreType.DMA,
        ],
    )
    return fn(h, srcm, dstm, zeros)


def _combine_body(p_ref, b_ref, o_ref):
    s = p_ref[0] + p_ref[1] + b_ref[...][None, :]
    o_ref[...] = jnp.maximum(s, 0.0)


def _combine(partials, b):
    return pl.pallas_call(
        _combine_body,
        grid=(10,),
        in_specs=[
            pl.BlockSpec((NC, 1000, D), lambda i: (0, i, 0)),
            pl.BlockSpec((D,), lambda i: (0,)),
        ],
        out_specs=pl.BlockSpec((1000, D), lambda i: (i, 0)),
        out_shape=jax.ShapeDtypeStruct((N_NODES, D), jnp.float32),
    )(partials, b)


def _pack_side(arr, nch):
    m = arr.reshape(NS, nch, CHUNK)
    return jnp.concatenate(
        [m, jnp.zeros((NS, NCH_MAX - nch, CHUNK), jnp.int32)], axis=1)


def kernel(x, edge_index, W, b):
    x_pad = jnp.concatenate(
        [x, jnp.zeros((H_ROWS - N_NODES, D), jnp.float32)])
    h = _matmul(x_pad, W)

    src = edge_index[0]
    dst = edge_index[1]
    pad = E_PAD - N_EDGES
    pad_src = jnp.full((pad,), N_NODES, jnp.int32)
    pad_dst = jnp.arange(pad, dtype=jnp.int32) % N_NODES
    src_p = jnp.concatenate([src, pad_src])
    dst_p = jnp.concatenate([dst, pad_dst])
    n0 = NS * NCH0 * CHUNK
    srcm = jnp.concatenate(
        [_pack_side(src_p[:n0], NCH0), _pack_side(src_p[n0:], NCH1)])
    dstm = jnp.concatenate(
        [_pack_side(dst_p[:n0], NCH0), _pack_side(dst_p[n0:], NCH1)])
    zeros = jnp.zeros((N_NODES, D), jnp.float32)

    partials = _sc_aggregate(h, srcm, dstm, zeros)
    return _combine(partials, b)

# --- scband reference (transcript-rebuilt; emitter-appended) ---
"""Pipeline reference for scband-graph-convolution-52587579572945 (READ-ONLY COPY).

The authoritative reference and input builder live on the scoring server;
editing this copy changes nothing except your own understanding.
"""

import jax, jax.numpy as jnp
import numpy as np

N_NODES = 10000
N_EDGES = 320000
D_IN = 128
D_OUT = 128


def setup_inputs(seed: int = 0) -> dict:
    key = jax.random.key(seed)
    k1, k2, k3 = jax.random.split(key, 3)
    x = jax.random.normal(k1, (N_NODES, D_IN), dtype=jnp.float32)
    edge_index = jax.random.randint(k2, (2, N_EDGES), 0, N_NODES, dtype=jnp.int32)
    # he_uniform init for weight [D_IN, D_OUT]
    limit = np.sqrt(6.0 / D_IN)
    W = jax.random.uniform(k3, (D_IN, D_OUT), dtype=jnp.float32, minval=-limit, maxval=limit)
    b = jnp.zeros((D_OUT,), dtype=jnp.float32)
    return {"x": x, "edge_index": edge_index, "W": W, "b": b}


def reference(x, edge_index, W, b):
    # Dense input path (is_sparse=False), inference (training=None -> no dropout).
    # tensor = x @ W
    h = jnp.matmul(x, W)
    # tensor = A_sparse @ h : adjacency matmul as gather + scatter-add (segment_sum).
    # A row i = destination node, column j = source node; unweighted edges (value 1.0).
    src = edge_index[0]
    dst = edge_index[1]
    gathered = jnp.take(h, src, axis=0)
    out = jax.ops.segment_sum(gathered, dst, num_segments=N_NODES)
    # bias + relu activation
    out = out + b
    return jax.nn.relu(out)

if __name__ == "__main__":
    import jax
    _d = setup_inputs()
    print(jax.jit(kernel)(*tuple(_d.values())))

</pallas_src>

<mosaic_0001>
#map = affine_map<(d0, d1) -> (0, 0)>
#map1 = affine_map<(d0, d1) -> (0, 0, 0)>
module attributes {stable_mosaic.version = 14 : i64} {
  func.func @_sc_body(%arg0: i32, %arg1: i32, %arg2: memref<10240x128xf32, #tpu.memory_space<hbm>>, %arg3: memref<32x216x128xi32, #tpu.memory_space<hbm>>, %arg4: memref<32x216x128xi32, #tpu.memory_space<hbm>>, %arg5: memref<10000x128xf32, #tpu.memory_space<hbm>>, %arg6: memref<2x10000x128xf32, #tpu.memory_space<hbm>>, %arg7: memref<72x128xi32, #tpu.memory_space<vmem>>, %arg8: memref<72x128xi32, #tpu.memory_space<vmem>>, %arg9: memref<128x128xf32, #tpu.memory_space<vmem>>, %arg10: memref<10000x128xf32, #tpu.memory_space<vmem_shared>>, %arg11: memref<!tpu.dma_semaphore, #tpu.memory_space<semaphore_mem>>) attributes {dimension_semantics = [#tpu.dimension_semantics<core_parallel>, #tpu.dimension_semantics<subcore_parallel>], iteration_bounds = array<i64: 2, 16>, scalar_prefetch = 0 : i64, scratch_operands = 5 : i64, tpu.core_type = #tpu.core_type<sc_vector_subcore>, window_params = [{transform_indices = #map}, {transform_indices = #map1}, {transform_indices = #map1}, {transform_indices = #map}, {transform_indices = #map1}]} {
    %mul3A = arith.constant 16 : i32
    %mul3A_0 = arith.muli %arg0, %mul3A : i32
    %add3A = arith.addi %mul3A_0, %arg1 : i32
    %lt3A = arith.constant 15 : i32
    %lt3A_1 = arith.cmpi slt, %arg1, %lt3A : i32
    %convert_element_type3A = arith.extui %lt3A_1 : i1 to i32
    %cond3A = arith.constant 0 : i32
    %cond3A_2 = arith.cmpi ne, %convert_element_type3A, %cond3A : i32
    scf.if %cond3A_2 {
      %mul3A_60 = arith.constant 624 : i32
      %mul3A_61 = arith.muli %arg1, %mul3A_60 : i32
      %mul3A_62 = arith.constant 624 : i32
      %mul3A_63 = arith.muli %arg1, %mul3A_62 : i32
      "tpu.region"() ({
        %run_scoped3A = tpu.sem_alloc : memref<!tpu.dma_semaphore, #tpu.memory_space<semaphore_mem>>
        %dma_start3A = arith.constant 0 : i32
        %dma_start3A_64 = tpu.memref_slice %arg10[%mul3A_63, %dma_start3A] : memref<10000x128xf32, #tpu.memory_space<vmem_shared>> -> memref<624x128xf32, #tpu.memory_space<vmem_shared>>
        %dma_start3A_65 = arith.constant 0 : i32
        %dma_start3A_66 = tpu.memref_slice %arg5[%mul3A_61, %dma_start3A_65] : memref<10000x128xf32, #tpu.memory_space<hbm>> -> memref<624x128xf32, #tpu.memory_space<hbm>>
        tpu.enqueue_dma source(%dma_start3A_66 : memref<624x128xf32, #tpu.memory_space<hbm>>) target(%dma_start3A_64 : memref<624x128xf32, #tpu.memory_space<vmem_shared>>) target_semaphore(%run_scoped3A : memref<!tpu.dma_semaphore, #tpu.memory_space<semaphore_mem>>)
        %dma_wait3A = arith.constant 0 : i32
        %dma_wait3A_67 = tpu.memref_slice %arg10[%mul3A_63, %dma_wait3A] : memref<10000x128xf32, #tpu.memory_space<vmem_shared>> -> memref<624x128xf32, #tpu.memory_space<vmem_shared>>
        %dma_wait3A_68 = arith.constant 0 : i32
        %dma_wait3A_69 = tpu.memref_slice %arg5[%mul3A_61, %dma_wait3A_68] : memref<10000x128xf32, #tpu.memory_space<hbm>> -> memref<624x128xf32, #tpu.memory_space<hbm>>
        tpu.wait_dma2 semaphore(%run_scoped3A : memref<!tpu.dma_semaphore, #tpu.memory_space<semaphore_mem>>) src(%dma_wait3A_69 : memref<624x128xf32, #tpu.memory_space<hbm>>) dst(%dma_wait3A_67 : memref<624x128xf32, #tpu.memory_space<vmem_shared>>)
        tpu.yield
      }) : () -> ()
    } else {
    }
    %eq3A = arith.constant 15 : i32
    %eq3A_3 = arith.cmpi eq, %arg1, %eq3A : i32
    %convert_element_type3A_4 = arith.extui %eq3A_3 : i1 to i32
    %cond3A_5 = arith.constant 0 : i32
    %cond3A_6 = arith.cmpi ne, %convert_element_type3A_4, %cond3A_5 : i32
    scf.if %cond3A_6 {
      "tpu.region"() ({
        %run_scoped3A = tpu.sem_alloc : memref<!tpu.dma_semaphore, #tpu.memory_space<semaphore_mem>>
        %dma_start3A = arith.constant 9360 : i32
        %dma_start3A_60 = arith.constant 0 : i32
        %dma_start3A_61 = tpu.memref_slice %arg10[%dma_start3A, %dma_start3A_60] : memref<10000x128xf32, #tpu.memory_space<vmem_shared>> -> memref<640x128xf32, #tpu.memory_space<vmem_shared>>
        %dma_start3A_62 = arith.constant 9360 : i32
        %dma_start3A_63 = arith.constant 0 : i32
        %dma_start3A_64 = tpu.memref_slice %arg5[%dma_start3A_62, %dma_start3A_63] : memref<10000x128xf32, #tpu.memory_space<hbm>> -> memref<640x128xf32, #tpu.memory_space<hbm>>
        tpu.enqueue_dma source(%dma_start3A_64 : memref<640x128xf32, #tpu.memory_space<hbm>>) target(%dma_start3A_61 : memref<640x128xf32, #tpu.memory_space<vmem_shared>>) target_semaphore(%run_scoped3A : memref<!tpu.dma_semaphore, #tpu.memory_space<semaphore_mem>>)
        %dma_wait3A = arith.constant 9360 : i32
        %dma_wait3A_65 = arith.constant 0 : i32
        %dma_wait3A_66 = tpu.memref_slice %arg10[%dma_wait3A, %dma_wait3A_65] : memref<10000x128xf32, #tpu.memory_space<vmem_shared>> -> memref<640x128xf32, #tpu.memory_space<vmem_shared>>
        %dma_wait3A_67 = arith.constant 9360 : i32
        %dma_wait3A_68 = arith.constant 0 : i32
        %dma_wait3A_69 = tpu.memref_slice %arg5[%dma_wait3A_67, %dma_wait3A_68] : memref<10000x128xf32, #tpu.memory_space<hbm>> -> memref<640x128xf32, #tpu.memory_space<hbm>>
        tpu.wait_dma2 semaphore(%run_scoped3A : memref<!tpu.dma_semaphore, #tpu.memory_space<semaphore_mem>>) src(%dma_wait3A_69 : memref<640x128xf32, #tpu.memory_space<hbm>>) dst(%dma_wait3A_66 : memref<640x128xf32, #tpu.memory_space<vmem_shared>>)
        tpu.yield
      }) : () -> ()
    } else {
    }
    %barrier3A = arith.constant 0 : index
    tpu.barrier barrier_id(%barrier3A)
    "tpu.region"() ({
      %run_scoped3A = tpu.sem_alloc : memref<!tpu.dma_semaphore, #tpu.memory_space<semaphore_mem>>
      %dma_start3A = arith.constant 0 : i32
      %dma_start3A_60 = arith.constant 0 : i32
      %dma_start3A_61 = tpu.memref_slice %arg3[%add3A, %dma_start3A, %dma_start3A_60] : memref<32x216x128xi32, #tpu.memory_space<hbm>> -> memref<1x72x128xi32, #tpu.memory_space<hbm>>
      %dma_start3A_62 = tpu.memref_squeeze %dma_start3A_61 : memref<1x72x128xi32, #tpu.memory_space<hbm>> -> memref<72x128xi32, #tpu.memory_space<hbm>>
      %dma_start3A_63 = arith.constant 0 : i32
      %dma_start3A_64 = arith.constant 0 : i32
      %dma_start3A_65 = tpu.memref_slice %arg3[%add3A, %dma_start3A_63, %dma_start3A_64] : memref<32x216x128xi32, #tpu.memory_space<hbm>> -> memref<1x72x128xi32, #tpu.memory_space<hbm>>
      %dma_start3A_66 = tpu.memref_squeeze %dma_start3A_65 : memref<1x72x128xi32, #tpu.memory_space<hbm>> -> memref<72x128xi32, #tpu.memory_space<hbm>>
      tpu.enqueue_dma source(%dma_start3A_66 : memref<72x128xi32, #tpu.memory_space<hbm>>) target(%arg7 : memref<72x128xi32, #tpu.memory_space<vmem>>) target_semaphore(%run_scoped3A : memref<!tpu.dma_semaphore, #tpu.memory_space<semaphore_mem>>)
      %dma_wait3A = arith.constant 0 : i32
      %dma_wait3A_67 = arith.constant 0 : i32
      %dma_wait3A_68 = tpu.memref_slice %arg3[%add3A, %dma_wait3A, %dma_wait3A_67] : memref<32x216x128xi32, #tpu.memory_space<hbm>> -> memref<1x72x128xi32, #tpu.memory_space<hbm>>
      %dma_wait3A_69 = tpu.memref_squeeze %dma_wait3A_68 : memref<1x72x128xi32, #tpu.memory_space<hbm>> -> memref<72x128xi32, #tpu.memory_space<hbm>>
      %dma_wait3A_70 = arith.constant 0 : i32
      %dma_wait3A_71 = arith.constant 0 : i32
      %dma_wait3A_72 = tpu.memref_slice %arg3[%add3A, %dma_wait3A_70, %dma_wait3A_71] : memref<32x216x128xi32, #tpu.memory_space<hbm>> -> memref<1x72x128xi32, #tpu.memory_space<hbm>>
      %dma_wait3A_73 = tpu.memref_squeeze %dma_wait3A_72 : memref<1x72x128xi32, #tpu.memory_space<hbm>> -> memref<72x128xi32, #tpu.memory_space<hbm>>
      tpu.wait_dma2 semaphore(%run_scoped3A : memref<!tpu.dma_semaphore, #tpu.memory_space<semaphore_mem>>) src(%dma_wait3A_73 : memref<72x128xi32, #tpu.memory_space<hbm>>) dst(%arg7 : memref<72x128xi32, #tpu.memory_space<vmem>>)
      tpu.yield
    }) : () -> ()
    "tpu.region"() ({
      %run_scoped3A = tpu.sem_alloc : memref<!tpu.dma_semaphore, #tpu.memory_space<semaphore_mem>>
      %dma_start3A = arith.constant 0 : i32
      %dma_start3A_60 = arith.constant 0 : i32
      %dma_start3A_61 = tpu.memref_slice %arg4[%add3A, %dma_start3A, %dma_start3A_60] : memref<32x216x128xi32, #tpu.memory_space<hbm>> -> memref<1x72x128xi32, #tpu.memory_space<hbm>>
      %dma_start3A_62 = tpu.memref_squeeze %dma_start3A_61 : memref<1x72x128xi32, #tpu.memory_space<hbm>> -> memref<72x128xi32, #tpu.memory_space<hbm>>
      %dma_start3A_63 = arith.constant 0 : i32
      %dma_start3A_64 = arith.constant 0 : i32
      %dma_start3A_65 = tpu.memref_slice %arg4[%add3A, %dma_start3A_63, %dma_start3A_64] : memref<32x216x128xi32, #tpu.memory_space<hbm>> -> memref<1x72x128xi32, #tpu.memory_space<hbm>>
      %dma_start3A_66 = tpu.memref_squeeze %dma_start3A_65 : memref<1x72x128xi32, #tpu.memory_space<hbm>> -> memref<72x128xi32, #tpu.memory_space<hbm>>
      tpu.enqueue_dma source(%dma_start3A_66 : memref<72x128xi32, #tpu.memory_space<hbm>>) target(%arg8 : memref<72x128xi32, #tpu.memory_space<vmem>>) target_semaphore(%run_scoped3A : memref<!tpu.dma_semaphore, #tpu.memory_space<semaphore_mem>>)
      %dma_wait3A = arith.constant 0 : i32
      %dma_wait3A_67 = arith.constant 0 : i32
      %dma_wait3A_68 = tpu.memref_slice %arg4[%add3A, %dma_wait3A, %dma_wait3A_67] : memref<32x216x128xi32, #tpu.memory_space<hbm>> -> memref<1x72x128xi32, #tpu.memory_space<hbm>>
      %dma_wait3A_69 = tpu.memref_squeeze %dma_wait3A_68 : memref<1x72x128xi32, #tpu.memory_space<hbm>> -> memref<72x128xi32, #tpu.memory_space<hbm>>
      %dma_wait3A_70 = arith.constant 0 : i32
      %dma_wait3A_71 = arith.constant 0 : i32
      %dma_wait3A_72 = tpu.memref_slice %arg4[%add3A, %dma_wait3A_70, %dma_wait3A_71] : memref<32x216x128xi32, #tpu.memory_space<hbm>> -> memref<1x72x128xi32, #tpu.memory_space<hbm>>
      %dma_wait3A_73 = tpu.memref_squeeze %dma_wait3A_72 : memref<1x72x128xi32, #tpu.memory_space<hbm>> -> memref<72x128xi32, #tpu.memory_space<hbm>>
      tpu.wait_dma2 semaphore(%run_scoped3A : memref<!tpu.dma_semaphore, #tpu.memory_space<semaphore_mem>>) src(%dma_wait3A_73 : memref<72x128xi32, #tpu.memory_space<hbm>>) dst(%arg8 : memref<72x128xi32, #tpu.memory_space<vmem>>)
      tpu.yield
    }) : () -> ()
    %eq3A_7 = arith.constant 0 : i32
    %eq3A_8 = arith.cmpi eq, %arg0, %eq3A_7 : i32
    %jit3A = arith.constant 72 : i32
    %jit3A_9 = arith.constant 8 : i32
    %select_n3A = arith.select %eq3A_8, %jit3A, %jit3A_9 : i32
    %while3A = arith.constant 0 : i32
    %while3A_10 = arith.constant 0 : i32
    %while3A_11 = arith.subi %select_n3A, %while3A_10 : i32
    %while3A_12 = arith.addi %while3A_10, %while3A_11 : i32
    %while3A_13 = arith.constant 1 : i32
    %while3A_14 = arith.divsi %while3A_11, %while3A_13 : i32
    %while3A_15 = arith.muli %while3A_14, %while3A_13 : i32
    %while3A_16 = arith.addi %while3A_10, %while3A_15 : i32
    %while3A_17 = arith.constant 1 : i32
    scf.for %while3A_60 = %while3A_10 to %while3A_16 step %while3A_17  : i32 {
      %dma_start3A = arith.constant 0 : i32
      %dma_start3A_61 = tpu.memref_slice %arg7[%while3A_60, %dma_start3A] : memref<72x128xi32, #tpu.memory_space<vmem>> -> memref<1x128xi32, #tpu.memory_space<vmem>>
      %dma_start3A_62 = tpu.memref_squeeze %dma_start3A_61 : memref<1x128xi32, #tpu.memory_space<vmem>> -> memref<128xi32, #tpu.memory_space<vmem>>
      %dma_start3A_63 = arith.constant 0 : i32
      %dma_start3A_64 = arith.constant 0 : i32
      %dma_start3A_65 = tpu.memref_slice %arg2[%dma_start3A_63, %dma_start3A_64] : memref<10240x128xf32, #tpu.memory_space<hbm>> -> memref<10240x128xf32, #tpu.memory_space<hbm>>
      tpu.enqueue_indirect_dma source(%dma_start3A_65 : memref<10240x128xf32, #tpu.memory_space<hbm>>) target(%arg9 : memref<128x128xf32, #tpu.memory_space<vmem>>) offsets(%dma_start3A_62 : memref<128xi32, #tpu.memory_space<vmem>>) semaphore(%arg11 : memref<!tpu.dma_semaphore, #tpu.memory_space<semaphore_mem>>)
      %dma_wait3A = arith.constant 0 : i32
      %dma_wait3A_66 = tpu.memref_slice %arg7[%while3A_60, %dma_wait3A] : memref<72x128xi32, #tpu.memory_space<vmem>> -> memref<1x128xi32, #tpu.memory_space<vmem>>
      %dma_wait3A_67 = tpu.memref_squeeze %dma_wait3A_66 : memref<1x128xi32, #tpu.memory_space<vmem>> -> memref<128xi32, #tpu.memory_space<vmem>>
      %dma_wait3A_68 = arith.constant 0 : i32
      %dma_wait3A_69 = arith.constant 0 : i32
      %dma_wait3A_70 = tpu.memref_slice %arg2[%dma_wait3A_68, %dma_wait3A_69] : memref<10240x128xf32, #tpu.memory_space<hbm>> -> memref<10240x128xf32, #tpu.memory_space<hbm>>
      tpu.wait_indirect_dma semaphore(%arg11 : memref<!tpu.dma_semaphore, #tpu.memory_space<semaphore_mem>>) src(%dma_wait3A_70 : memref<10240x128xf32, #tpu.memory_space<hbm>>) dst(%arg9 : memref<128x128xf32, #tpu.memory_space<vmem>>)
      "tpu.region"() ({
        %run_scoped3A = tpu.sem_alloc : memref<!tpu.dma_semaphore, #tpu.memory_space<semaphore_mem>>
        %dma_start3A_71 = arith.constant 0 : i32
        %dma_start3A_72 = tpu.memref_slice %arg8[%while3A_60, %dma_start3A_71] : memref<72x128xi32, #tpu.memory_space<vmem>> -> memref<1x128xi32, #tpu.memory_space<vmem>>
        %dma_start3A_73 = tpu.memref_squeeze %dma_start3A_72 : memref<1x128xi32, #tpu.memory_space<vmem>> -> memref<128xi32, #tpu.memory_space<vmem>>
        %dma_start3A_74 = arith.constant 0 : i32
        %dma_start3A_75 = arith.constant 0 : i32
        %dma_start3A_76 = tpu.memref_slice %arg10[%dma_start3A_74, %dma_start3A_75] : memref<10000x128xf32, #tpu.memory_space<vmem_shared>> -> memref<10000x128xf32, #tpu.memory_space<vmem_shared>>
        tpu.enqueue_indirect_dma source(%arg9 : memref<128x128xf32, #tpu.memory_space<vmem>>) target(%dma_start3A_76 : memref<10000x128xf32, #tpu.memory_space<vmem_shared>>) offsets(%dma_start3A_73 : memref<128xi32, #tpu.memory_space<vmem>>) semaphore(%run_scoped3A : memref<!tpu.dma_semaphore, #tpu.memory_space<semaphore_mem>>) {add = true}
        %dma_wait3A_77 = arith.constant 0 : i32
        %dma_wait3A_78 = tpu.memref_slice %arg8[%while3A_60, %dma_wait3A_77] : memref<72x128xi32, #tpu.memory_space<vmem>> -> memref<1x128xi32, #tpu.memory_space<vmem>>
        %dma_wait3A_79 = tpu.memref_squeeze %dma_wait3A_78 : memref<1x128xi32, #tpu.memory_space<vmem>> -> memref<128xi32, #tpu.memory_space<vmem>>
        %dma_wait3A_80 = arith.constant 0 : i32
        %dma_wait3A_81 = arith.constant 0 : i32
        %dma_wait3A_82 = tpu.memref_slice %arg10[%dma_wait3A_80, %dma_wait3A_81] : memref<10000x128xf32, #tpu.memory_space<vmem_shared>> -> memref<10000x128xf32, #tpu.memory_space<vmem_shared>>
        tpu.wait_indirect_dma semaphore(%run_scoped3A : memref<!tpu.dma_semaphore, #tpu.memory_space<semaphore_mem>>) src(%arg9 : memref<128x128xf32, #tpu.memory_space<vmem>>) dst(%dma_wait3A_82 : memref<10000x128xf32, #tpu.memory_space<vmem_shared>>)
        tpu.yield
      }) : () -> ()
    }
    %while3A_18 = arith.constant 1 : i32
    scf.for %while3A_60 = %while3A_16 to %while3A_12 step %while3A_18  : i32 {
      %dma_start3A = arith.constant 0 : i32
      %dma_start3A_61 = tpu.memref_slice %arg7[%while3A_60, %dma_start3A] : memref<72x128xi32, #tpu.memory_space<vmem>> -> memref<1x128xi32, #tpu.memory_space<vmem>>
      %dma_start3A_62 = tpu.memref_squeeze %dma_start3A_61 : memref<1x128xi32, #tpu.memory_space<vmem>> -> memref<128xi32, #tpu.memory_space<vmem>>
      %dma_start3A_63 = arith.constant 0 : i32
      %dma_start3A_64 = arith.constant 0 : i32
      %dma_start3A_65 = tpu.memref_slice %arg2[%dma_start3A_63, %dma_start3A_64] : memref<10240x128xf32, #tpu.memory_space<hbm>> -> memref<10240x128xf32, #tpu.memory_space<hbm>>
      tpu.enqueue_indirect_dma source(%dma_start3A_65 : memref<10240x128xf32, #tpu.memory_space<hbm>>) target(%arg9 : memref<128x128xf32, #tpu.memory_space<vmem>>) offsets(%dma_start3A_62 : memref<128xi32, #tpu.memory_space<vmem>>) semaphore(%arg11 : memref<!tpu.dma_semaphore, #tpu.memory_space<semaphore_mem>>)
      %dma_wait3A = arith.constant 0 : i32
      %dma_wait3A_66 = tpu.memref_slice %arg7[%while3A_60, %dma_wait3A] : memref<72x128xi32, #tpu.memory_space<vmem>> -> memref<1x128xi32, #tpu.memory_space<vmem>>
      %dma_wait3A_67 = tpu.memref_squeeze %dma_wait3A_66 : memref<1x128xi32, #tpu.memory_space<vmem>> -> memref<128xi32, #tpu.memory_space<vmem>>
      %dma_wait3A_68 = arith.constant 0 : i32
      %dma_wait3A_69 = arith.constant 0 : i32
      %dma_wait3A_70 = tpu.memref_slice %arg2[%dma_wait3A_68, %dma_wait3A_69] : memref<10240x128xf32, #tpu.memory_space<hbm>> -> memref<10240x128xf32, #tpu.memory_space<hbm>>
      tpu.wait_indirect_dma semaphore(%arg11 : memref<!tpu.dma_semaphore, #tpu.memory_space<semaphore_mem>>) src(%dma_wait3A_70 : memref<10240x128xf32, #tpu.memory_space<hbm>>) dst(%arg9 : memref<128x128xf32, #tpu.memory_space<vmem>>)
      "tpu.region"() ({
        %run_scoped3A = tpu.sem_alloc : memref<!tpu.dma_semaphore, #tpu.memory_space<semaphore_mem>>
        %dma_start3A_71 = arith.constant 0 : i32
        %dma_start3A_72 = tpu.memref_slice %arg8[%while3A_60, %dma_start3A_71] : memref<72x128xi32, #tpu.memory_space<vmem>> -> memref<1x128xi32, #tpu.memory_space<vmem>>
        %dma_start3A_73 = tpu.memref_squeeze %dma_start3A_72 : memref<1x128xi32, #tpu.memory_space<vmem>> -> memref<128xi32, #tpu.memory_space<vmem>>
        %dma_start3A_74 = arith.constant 0 : i32
        %dma_start3A_75 = arith.constant 0 : i32
        %dma_start3A_76 = tpu.memref_slice %arg10[%dma_start3A_74, %dma_start3A_75] : memref<10000x128xf32, #tpu.memory_space<vmem_shared>> -> memref<10000x128xf32, #tpu.memory_space<vmem_shared>>
        tpu.enqueue_indirect_dma source(%arg9 : memref<128x128xf32, #tpu.memory_space<vmem>>) target(%dma_start3A_76 : memref<10000x128xf32, #tpu.memory_space<vmem_shared>>) offsets(%dma_start3A_73 : memref<128xi32, #tpu.memory_space<vmem>>) semaphore(%run_scoped3A : memref<!tpu.dma_semaphore, #tpu.memory_space<semaphore_mem>>) {add = true}
        %dma_wait3A_77 = arith.constant 0 : i32
        %dma_wait3A_78 = tpu.memref_slice %arg8[%while3A_60, %dma_wait3A_77] : memref<72x128xi32, #tpu.memory_space<vmem>> -> memref<1x128xi32, #tpu.memory_space<vmem>>
        %dma_wait3A_79 = tpu.memref_squeeze %dma_wait3A_78 : memref<1x128xi32, #tpu.memory_space<vmem>> -> memref<128xi32, #tpu.memory_space<vmem>>
        %dma_wait3A_80 = arith.constant 0 : i32
        %dma_wait3A_81 = arith.constant 0 : i32
        %dma_wait3A_82 = tpu.memref_slice %arg10[%dma_wait3A_80, %dma_wait3A_81] : memref<10000x128xf32, #tpu.memory_space<vmem_shared>> -> memref<10000x128xf32, #tpu.memory_space<vmem_shared>>
        tpu.wait_indirect_dma semaphore(%run_scoped3A : memref<!tpu.dma_semaphore, #tpu.memory_space<semaphore_mem>>) src(%arg9 : memref<128x128xf32, #tpu.memory_space<vmem>>) dst(%dma_wait3A_82 : memref<10000x128xf32, #tpu.memory_space<vmem_shared>>)
        tpu.yield
      }) : () -> ()
    }
    "tpu.region"() ({
      %run_scoped3A = tpu.sem_alloc : memref<!tpu.dma_semaphore, #tpu.memory_space<semaphore_mem>>
      %dma_start3A = arith.constant 72 : i32
      %dma_start3A_60 = arith.constant 0 : i32
      %dma_start3A_61 = tpu.memref_slice %arg3[%add3A, %dma_start3A, %dma_start3A_60] : memref<32x216x128xi32, #tpu.memory_space<hbm>> -> memref<1x72x128xi32, #tpu.memory_space<hbm>>
      %dma_start3A_62 = tpu.memref_squeeze %dma_start3A_61 : memref<1x72x128xi32, #tpu.memory_space<hbm>> -> memref<72x128xi32, #tpu.memory_space<hbm>>
      %dma_start3A_63 = arith.constant 72 : i32
      %dma_start3A_64 = arith.constant 0 : i32
      %dma_start3A_65 = tpu.memref_slice %arg3[%add3A, %dma_start3A_63, %dma_start3A_64] : memref<32x216x128xi32, #tpu.memory_space<hbm>> -> memref<1x72x128xi32, #tpu.memory_space<hbm>>
      %dma_start3A_66 = tpu.memref_squeeze %dma_start3A_65 : memref<1x72x128xi32, #tpu.memory_space<hbm>> -> memref<72x128xi32, #tpu.memory_space<hbm>>
      tpu.enqueue_dma source(%dma_start3A_66 : memref<72x128xi32, #tpu.memory_space<hbm>>) target(%arg7 : memref<72x128xi32, #tpu.memory_space<vmem>>) target_semaphore(%run_scoped3A : memref<!tpu.dma_semaphore, #tpu.memory_space<semaphore_mem>>)
      %dma_wait3A = arith.constant 72 : i32
      %dma_wait3A_67 = arith.constant 0 : i32
      %dma_wait3A_68 = tpu.memref_slice %arg3[%add3A, %dma_wait3A, %dma_wait3A_67] : memref<32x216x128xi32, #tpu.memory_space<hbm>> -> memref<1x72x128xi32, #tpu.memory_space<hbm>>
      %dma_wait3A_69 = tpu.memref_squeeze %dma_wait3A_68 : memref<1x72x128xi32, #tpu.memory_space<hbm>> -> memref<72x128xi32, #tpu.memory_space<hbm>>
      %dma_wait3A_70 = arith.constant 72 : i32
      %dma_wait3A_71 = arith.constant 0 : i32
      %dma_wait3A_72 = tpu.memref_slice %arg3[%add3A, %dma_wait3A_70, %dma_wait3A_71] : memref<32x216x128xi32, #tpu.memory_space<hbm>> -> memref<1x72x128xi32, #tpu.memory_space<hbm>>
      %dma_wait3A_73 = tpu.memref_squeeze %dma_wait3A_72 : memref<1x72x128xi32, #tpu.memory_space<hbm>> -> memref<72x128xi32, #tpu.memory_space<hbm>>
      tpu.wait_dma2 semaphore(%run_scoped3A : memref<!tpu.dma_semaphore, #tpu.memory_space<semaphore_mem>>) src(%dma_wait3A_73 : memref<72x128xi32, #tpu.memory_space<hbm>>) dst(%arg7 : memref<72x128xi32, #tpu.memory_space<vmem>>)
      tpu.yield
    }) : () -> ()
    "tpu.region"() ({
      %run_scoped3A = tpu.sem_alloc : memref<!tpu.dma_semaphore, #tpu.memory_space<semaphore_mem>>
      %dma_start3A = arith.constant 72 : i32
      %dma_start3A_60 = arith.constant 0 : i32
      %dma_start3A_61 = tpu.memref_slice %arg4[%add3A, %dma_start3A, %dma_start3A_60] : memref<32x216x128xi32, #tpu.memory_space<hbm>> -> memref<1x72x128xi32, #tpu.memory_space<hbm>>
      %dma_start3A_62 = tpu.memref_squeeze %dma_start3A_61 : memref<1x72x128xi32, #tpu.memory_space<hbm>> -> memref<72x128xi32, #tpu.memory_space<hbm>>
      %dma_start3A_63 = arith.constant 72 : i32
      %dma_start3A_64 = arith.constant 0 : i32
      %dma_start3A_65 = tpu.memref_slice %arg4[%add3A, %dma_start3A_63, %dma_start3A_64] : memref<32x216x128xi32, #tpu.memory_space<hbm>> -> memref<1x72x128xi32, #tpu.memory_space<hbm>>
      %dma_start3A_66 = tpu.memref_squeeze %dma_start3A_65 : memref<1x72x128xi32, #tpu.memory_space<hbm>> -> memref<72x128xi32, #tpu.memory_space<hbm>>
      tpu.enqueue_dma source(%dma_start3A_66 : memref<72x128xi32, #tpu.memory_space<hbm>>) target(%arg8 : memref<72x128xi32, #tpu.memory_space<vmem>>) target_semaphore(%run_scoped3A : memref<!tpu.dma_semaphore, #tpu.memory_space<semaphore_mem>>)
      %dma_wait3A = arith.constant 72 : i32
      %dma_wait3A_67 = arith.constant 0 : i32
      %dma_wait3A_68 = tpu.memref_slice %arg4[%add3A, %dma_wait3A, %dma_wait3A_67] : memref<32x216x128xi32, #tpu.memory_space<hbm>> -> memref<1x72x128xi32, #tpu.memory_space<hbm>>
      %dma_wait3A_69 = tpu.memref_squeeze %dma_wait3A_68 : memref<1x72x128xi32, #tpu.memory_space<hbm>> -> memref<72x128xi32, #tpu.memory_space<hbm>>
      %dma_wait3A_70 = arith.constant 72 : i32
      %dma_wait3A_71 = arith.constant 0 : i32
      %dma_wait3A_72 = tpu.memref_slice %arg4[%add3A, %dma_wait3A_70, %dma_wait3A_71] : memref<32x216x128xi32, #tpu.memory_space<hbm>> -> memref<1x72x128xi32, #tpu.memory_space<hbm>>
      %dma_wait3A_73 = tpu.memref_squeeze %dma_wait3A_72 : memref<1x72x128xi32, #tpu.memory_space<hbm>> -> memref<72x128xi32, #tpu.memory_space<hbm>>
      tpu.wait_dma2 semaphore(%run_scoped3A : memref<!tpu.dma_semaphore, #tpu.memory_space<semaphore_mem>>) src(%dma_wait3A_73 : memref<72x128xi32, #tpu.memory_space<hbm>>) dst(%arg8 : memref<72x128xi32, #tpu.memory_space<vmem>>)
      tpu.yield
    }) : () -> ()
    %eq3A_19 = arith.constant 0 : i32
    %eq3A_20 = arith.cmpi eq, %arg0, %eq3A_19 : i32
    %jit3A_21 = arith.constant 72 : i32
    %jit3A_22 = arith.constant 0 : i32
    %select_n3A_23 = arith.select %eq3A_20, %jit3A_21, %jit3A_22 : i32
    %while3A_24 = arith.constant 0 : i32
    %while3A_25 = arith.constant 0 : i32
    %while3A_26 = arith.subi %select_n3A_23, %while3A_25 : i32
    %while3A_27 = arith.addi %while3A_25, %while3A_26 : i32
    %while3A_28 = arith.constant 1 : i32
    %while3A_29 = arith.divsi %while3A_26, %while3A_28 : i32
    %while3A_30 = arith.muli %while3A_29, %while3A_28 : i32
    %while3A_31 = arith.addi %while3A_25, %while3A_30 : i32
    %while3A_32 = arith.constant 1 : i32
    scf.for %while3A_60 = %while3A_25 to %while3A_31 step %while3A_32  : i32 {
      %dma_start3A = arith.constant 0 : i32
      %dma_start3A_61 = tpu.memref_slice %arg7[%while3A_60, %dma_start3A] : memref<72x128xi32, #tpu.memory_space<vmem>> -> memref<1x128xi32, #tpu.memory_space<vmem>>
      %dma_start3A_62 = tpu.memref_squeeze %dma_start3A_61 : memref<1x128xi32, #tpu.memory_space<vmem>> -> memref<128xi32, #tpu.memory_space<vmem>>
      %dma_start3A_63 = arith.constant 0 : i32
      %dma_start3A_64 = arith.constant 0 : i32
      %dma_start3A_65 = tpu.memref_slice %arg2[%dma_start3A_63, %dma_start3A_64] : memref<10240x128xf32, #tpu.memory_space<hbm>> -> memref<10240x128xf32, #tpu.memory_space<hbm>>
      tpu.enqueue_indirect_dma source(%dma_start3A_65 : memref<10240x128xf32, #tpu.memory_space<hbm>>) target(%arg9 : memref<128x128xf32, #tpu.memory_space<vmem>>) offsets(%dma_start3A_62 : memref<128xi32, #tpu.memory_space<vmem>>) semaphore(%arg11 : memref<!tpu.dma_semaphore, #tpu.memory_space<semaphore_mem>>)
      %dma_wait3A = arith.constant 0 : i32
      %dma_wait3A_66 = tpu.memref_slice %arg7[%while3A_60, %dma_wait3A] : memref<72x128xi32, #tpu.memory_space<vmem>> -> memref<1x128xi32, #tpu.memory_space<vmem>>
      %dma_wait3A_67 = tpu.memref_squeeze %dma_wait3A_66 : memref<1x128xi32, #tpu.memory_space<vmem>> -> memref<128xi32, #tpu.memory_space<vmem>>
      %dma_wait3A_68 = arith.constant 0 : i32
      %dma_wait3A_69 = arith.constant 0 : i32
      %dma_wait3A_70 = tpu.memref_slice %arg2[%dma_wait3A_68, %dma_wait3A_69] : memref<10240x128xf32, #tpu.memory_space<hbm>> -> memref<10240x128xf32, #tpu.memory_space<hbm>>
      tpu.wait_indirect_dma semaphore(%arg11 : memref<!tpu.dma_semaphore, #tpu.memory_space<semaphore_mem>>) src(%dma_wait3A_70 : memref<10240x128xf32, #tpu.memory_space<hbm>>) dst(%arg9 : memref<128x128xf32, #tpu.memory_space<vmem>>)
      "tpu.region"() ({
        %run_scoped3A = tpu.sem_alloc : memref<!tpu.dma_semaphore, #tpu.memory_space<semaphore_mem>>
        %dma_start3A_71 = arith.constant 0 : i32
        %dma_start3A_72 = tpu.memref_slice %arg8[%while3A_60, %dma_start3A_71] : memref<72x128xi32, #tpu.memory_space<vmem>> -> memref<1x128xi32, #tpu.memory_space<vmem>>
        %dma_start3A_73 = tpu.memref_squeeze %dma_start3A_72 : memref<1x128xi32, #tpu.memory_space<vmem>> -> memref<128xi32, #tpu.memory_space<vmem>>
        %dma_start3A_74 = arith.constant 0 : i32
        %dma_start3A_75 = arith.constant 0 : i32
        %dma_start3A_76 = tpu.memref_slice %arg10[%dma_start3A_74, %dma_start3A_75] : memref<10000x128xf32, #tpu.memory_space<vmem_shared>> -> memref<10000x128xf32, #tpu.memory_space<vmem_shared>>
        tpu.enqueue_indirect_dma source(%arg9 : memref<128x128xf32, #tpu.memory_space<vmem>>) target(%dma_start3A_76 : memref<10000x128xf32, #tpu.memory_space<vmem_shared>>) offsets(%dma_start3A_73 : memref<128xi32, #tpu.memory_space<vmem>>) semaphore(%run_scoped3A : memref<!tpu.dma_semaphore, #tpu.memory_space<semaphore_mem>>) {add = true}
        %dma_wait3A_77 = arith.constant 0 : i32
        %dma_wait3A_78 = tpu.memref_slice %arg8[%while3A_60, %dma_wait3A_77] : memref<72x128xi32, #tpu.memory_space<vmem>> -> memref<1x128xi32, #tpu.memory_space<vmem>>
        %dma_wait3A_79 = tpu.memref_squeeze %dma_wait3A_78 : memref<1x128xi32, #tpu.memory_space<vmem>> -> memref<128xi32, #tpu.memory_space<vmem>>
        %dma_wait3A_80 = arith.constant 0 : i32
        %dma_wait3A_81 = arith.constant 0 : i32
        %dma_wait3A_82 = tpu.memref_slice %arg10[%dma_wait3A_80, %dma_wait3A_81] : memref<10000x128xf32, #tpu.memory_space<vmem_shared>> -> memref<10000x128xf32, #tpu.memory_space<vmem_shared>>
        tpu.wait_indirect_dma semaphore(%run_scoped3A : memref<!tpu.dma_semaphore, #tpu.memory_space<semaphore_mem>>) src(%arg9 : memref<128x128xf32, #tpu.memory_space<vmem>>) dst(%dma_wait3A_82 : memref<10000x128xf32, #tpu.memory_space<vmem_shared>>)
        tpu.yield
      }) : () -> ()
    }
    %while3A_33 = arith.constant 1 : i32
    scf.for %while3A_60 = %while3A_31 to %while3A_27 step %while3A_33  : i32 {
      %dma_start3A = arith.constant 0 : i32
      %dma_start3A_61 = tpu.memref_slice %arg7[%while3A_60, %dma_start3A] : memref<72x128xi32, #tpu.memory_space<vmem>> -> memref<1x128xi32, #tpu.memory_space<vmem>>
      %dma_start3A_62 = tpu.memref_squeeze %dma_start3A_61 : memref<1x128xi32, #tpu.memory_space<vmem>> -> memref<128xi32, #tpu.memory_space<vmem>>
      %dma_start3A_63 = arith.constant 0 : i32
      %dma_start3A_64 = arith.constant 0 : i32
      %dma_start3A_65 = tpu.memref_slice %arg2[%dma_start3A_63, %dma_start3A_64] : memref<10240x128xf32, #tpu.memory_space<hbm>> -> memref<10240x128xf32, #tpu.memory_space<hbm>>
      tpu.enqueue_indirect_dma source(%dma_start3A_65 : memref<10240x128xf32, #tpu.memory_space<hbm>>) target(%arg9 : memref<128x128xf32, #tpu.memory_space<vmem>>) offsets(%dma_start3A_62 : memref<128xi32, #tpu.memory_space<vmem>>) semaphore(%arg11 : memref<!tpu.dma_semaphore, #tpu.memory_space<semaphore_mem>>)
      %dma_wait3A = arith.constant 0 : i32
      %dma_wait3A_66 = tpu.memref_slice %arg7[%while3A_60, %dma_wait3A] : memref<72x128xi32, #tpu.memory_space<vmem>> -> memref<1x128xi32, #tpu.memory_space<vmem>>
      %dma_wait3A_67 = tpu.memref_squeeze %dma_wait3A_66 : memref<1x128xi32, #tpu.memory_space<vmem>> -> memref<128xi32, #tpu.memory_space<vmem>>
      %dma_wait3A_68 = arith.constant 0 : i32
      %dma_wait3A_69 = arith.constant 0 : i32
      %dma_wait3A_70 = tpu.memref_slice %arg2[%dma_wait3A_68, %dma_wait3A_69] : memref<10240x128xf32, #tpu.memory_space<hbm>> -> memref<10240x128xf32, #tpu.memory_space<hbm>>
      tpu.wait_indirect_dma semaphore(%arg11 : memref<!tpu.dma_semaphore, #tpu.memory_space<semaphore_mem>>) src(%dma_wait3A_70 : memref<10240x128xf32, #tpu.memory_space<hbm>>) dst(%arg9 : memref<128x128xf32, #tpu.memory_space<vmem>>)
      "tpu.region"() ({
        %run_scoped3A = tpu.sem_alloc : memref<!tpu.dma_semaphore, #tpu.memory_space<semaphore_mem>>
        %dma_start3A_71 = arith.constant 0 : i32
        %dma_start3A_72 = tpu.memref_slice %arg8[%while3A_60, %dma_start3A_71] : memref<72x128xi32, #tpu.memory_space<vmem>> -> memref<1x128xi32, #tpu.memory_space<vmem>>
        %dma_start3A_73 = tpu.memref_squeeze %dma_start3A_72 : memref<1x128xi32, #tpu.memory_space<vmem>> -> memref<128xi32, #tpu.memory_space<vmem>>
        %dma_start3A_74 = arith.constant 0 : i32
        %dma_start3A_75 = arith.constant 0 : i32
        %dma_start3A_76 = tpu.memref_slice %arg10[%dma_start3A_74, %dma_start3A_75] : memref<10000x128xf32, #tpu.memory_space<vmem_shared>> -> memref<10000x128xf32, #tpu.memory_space<vmem_shared>>
        tpu.enqueue_indirect_dma source(%arg9 : memref<128x128xf32, #tpu.memory_space<vmem>>) target(%dma_start3A_76 : memref<10000x128xf32, #tpu.memory_space<vmem_shared>>) offsets(%dma_start3A_73 : memref<128xi32, #tpu.memory_space<vmem>>) semaphore(%run_scoped3A : memref<!tpu.dma_semaphore, #tpu.memory_space<semaphore_mem>>) {add = true}
        %dma_wait3A_77 = arith.constant 0 : i32
        %dma_wait3A_78 = tpu.memref_slice %arg8[%while3A_60, %dma_wait3A_77] : memref<72x128xi32, #tpu.memory_space<vmem>> -> memref<1x128xi32, #tpu.memory_space<vmem>>
        %dma_wait3A_79 = tpu.memref_squeeze %dma_wait3A_78 : memref<1x128xi32, #tpu.memory_space<vmem>> -> memref<128xi32, #tpu.memory_space<vmem>>
        %dma_wait3A_80 = arith.constant 0 : i32
        %dma_wait3A_81 = arith.constant 0 : i32
        %dma_wait3A_82 = tpu.memref_slice %arg10[%dma_wait3A_80, %dma_wait3A_81] : memref<10000x128xf32, #tpu.memory_space<vmem_shared>> -> memref<10000x128xf32, #tpu.memory_space<vmem_shared>>
        tpu.wait_indirect_dma semaphore(%run_scoped3A : memref<!tpu.dma_semaphore, #tpu.memory_space<semaphore_mem>>) src(%arg9 : memref<128x128xf32, #tpu.memory_space<vmem>>) dst(%dma_wait3A_82 : memref<10000x128xf32, #tpu.memory_space<vmem_shared>>)
        tpu.yield
      }) : () -> ()
    }
    "tpu.region"() ({
      %run_scoped3A = tpu.sem_alloc : memref<!tpu.dma_semaphore, #tpu.memory_space<semaphore_mem>>
      %dma_start3A = arith.constant 144 : i32
      %dma_start3A_60 = arith.constant 0 : i32
      %dma_start3A_61 = tpu.memref_slice %arg3[%add3A, %dma_start3A, %dma_start3A_60] : memref<32x216x128xi32, #tpu.memory_space<hbm>> -> memref<1x72x128xi32, #tpu.memory_space<hbm>>
      %dma_start3A_62 = tpu.memref_squeeze %dma_start3A_61 : memref<1x72x128xi32, #tpu.memory_space<hbm>> -> memref<72x128xi32, #tpu.memory_space<hbm>>
      %dma_start3A_63 = arith.constant 144 : i32
      %dma_start3A_64 = arith.constant 0 : i32
      %dma_start3A_65 = tpu.memref_slice %arg3[%add3A, %dma_start3A_63, %dma_start3A_64] : memref<32x216x128xi32, #tpu.memory_space<hbm>> -> memref<1x72x128xi32, #tpu.memory_space<hbm>>
      %dma_start3A_66 = tpu.memref_squeeze %dma_start3A_65 : memref<1x72x128xi32, #tpu.memory_space<hbm>> -> memref<72x128xi32, #tpu.memory_space<hbm>>
      tpu.enqueue_dma source(%dma_start3A_66 : memref<72x128xi32, #tpu.memory_space<hbm>>) target(%arg7 : memref<72x128xi32, #tpu.memory_space<vmem>>) target_semaphore(%run_scoped3A : memref<!tpu.dma_semaphore, #tpu.memory_space<semaphore_mem>>)
      %dma_wait3A = arith.constant 144 : i32
      %dma_wait3A_67 = arith.constant 0 : i32
      %dma_wait3A_68 = tpu.memref_slice %arg3[%add3A, %dma_wait3A, %dma_wait3A_67] : memref<32x216x128xi32, #tpu.memory_space<hbm>> -> memref<1x72x128xi32, #tpu.memory_space<hbm>>
      %dma_wait3A_69 = tpu.memref_squeeze %dma_wait3A_68 : memref<1x72x128xi32, #tpu.memory_space<hbm>> -> memref<72x128xi32, #tpu.memory_space<hbm>>
      %dma_wait3A_70 = arith.constant 144 : i32
      %dma_wait3A_71 = arith.constant 0 : i32
      %dma_wait3A_72 = tpu.memref_slice %arg3[%add3A, %dma_wait3A_70, %dma_wait3A_71] : memref<32x216x128xi32, #tpu.memory_space<hbm>> -> memref<1x72x128xi32, #tpu.memory_space<hbm>>
      %dma_wait3A_73 = tpu.memref_squeeze %dma_wait3A_72 : memref<1x72x128xi32, #tpu.memory_space<hbm>> -> memref<72x128xi32, #tpu.memory_space<hbm>>
      tpu.wait_dma2 semaphore(%run_scoped3A : memref<!tpu.dma_semaphore, #tpu.memory_space<semaphore_mem>>) src(%dma_wait3A_73 : memref<72x128xi32, #tpu.memory_space<hbm>>) dst(%arg7 : memref<72x128xi32, #tpu.memory_space<vmem>>)
      tpu.yield
    }) : () -> ()
    "tpu.region"() ({
      %run_scoped3A = tpu.sem_alloc : memref<!tpu.dma_semaphore, #tpu.memory_space<semaphore_mem>>
      %dma_start3A = arith.constant 144 : i32
      %dma_start3A_60 = arith.constant 0 : i32
      %dma_start3A_61 = tpu.memref_slice %arg4[%add3A, %dma_start3A, %dma_start3A_60] : memref<32x216x128xi32, #tpu.memory_space<hbm>> -> memref<1x72x128xi32, #tpu.memory_space<hbm>>
      %dma_start3A_62 = tpu.memref_squeeze %dma_start3A_61 : memref<1x72x128xi32, #tpu.memory_space<hbm>> -> memref<72x128xi32, #tpu.memory_space<hbm>>
      %dma_start3A_63 = arith.constant 144 : i32
      %dma_start3A_64 = arith.constant 0 : i32
      %dma_start3A_65 = tpu.memref_slice %arg4[%add3A, %dma_start3A_63, %dma_start3A_64] : memref<32x216x128xi32, #tpu.memory_space<hbm>> -> memref<1x72x128xi32, #tpu.memory_space<hbm>>
      %dma_start3A_66 = tpu.memref_squeeze %dma_start3A_65 : memref<1x72x128xi32, #tpu.memory_space<hbm>> -> memref<72x128xi32, #tpu.memory_space<hbm>>
      tpu.enqueue_dma source(%dma_start3A_66 : memref<72x128xi32, #tpu.memory_space<hbm>>) target(%arg8 : memref<72x128xi32, #tpu.memory_space<vmem>>) target_semaphore(%run_scoped3A : memref<!tpu.dma_semaphore, #tpu.memory_space<semaphore_mem>>)
      %dma_wait3A = arith.constant 144 : i32
      %dma_wait3A_67 = arith.constant 0 : i32
      %dma_wait3A_68 = tpu.memref_slice %arg4[%add3A, %dma_wait3A, %dma_wait3A_67] : memref<32x216x128xi32, #tpu.memory_space<hbm>> -> memref<1x72x128xi32, #tpu.memory_space<hbm>>
      %dma_wait3A_69 = tpu.memref_squeeze %dma_wait3A_68 : memref<1x72x128xi32, #tpu.memory_space<hbm>> -> memref<72x128xi32, #tpu.memory_space<hbm>>
      %dma_wait3A_70 = arith.constant 144 : i32
      %dma_wait3A_71 = arith.constant 0 : i32
      %dma_wait3A_72 = tpu.memref_slice %arg4[%add3A, %dma_wait3A_70, %dma_wait3A_71] : memref<32x216x128xi32, #tpu.memory_space<hbm>> -> memref<1x72x128xi32, #tpu.memory_space<hbm>>
      %dma_wait3A_73 = tpu.memref_squeeze %dma_wait3A_72 : memref<1x72x128xi32, #tpu.memory_space<hbm>> -> memref<72x128xi32, #tpu.memory_space<hbm>>
      tpu.wait_dma2 semaphore(%run_scoped3A : memref<!tpu.dma_semaphore, #tpu.memory_space<semaphore_mem>>) src(%dma_wait3A_73 : memref<72x128xi32, #tpu.memory_space<hbm>>) dst(%arg8 : memref<72x128xi32, #tpu.memory_space<vmem>>)
      tpu.yield
    }) : () -> ()
    %eq3A_34 = arith.constant 0 : i32
    %eq3A_35 = arith.cmpi eq, %arg0, %eq3A_34 : i32
    %jit3A_36 = arith.constant 8 : i32
    %jit3A_37 = arith.constant 0 : i32
    %select_n3A_38 = arith.select %eq3A_35, %jit3A_36, %jit3A_37 : i32
    %while3A_39 = arith.constant 0 : i32
    %while3A_40 = arith.constant 0 : i32
    %while3A_41 = arith.subi %select_n3A_38, %while3A_40 : i32
    %while3A_42 = arith.addi %while3A_40, %while3A_41 : i32
    %while3A_43 = arith.constant 1 : i32
    %while3A_44 = arith.divsi %while3A_41, %while3A_43 : i32
    %while3A_45 = arith.muli %while3A_44, %while3A_43 : i32
    %while3A_46 = arith.addi %while3A_40, %while3A_45 : i32
    %while3A_47 = arith.constant 1 : i32
    scf.for %while3A_60 = %while3A_40 to %while3A_46 step %while3A_47  : i32 {
      %dma_start3A = arith.constant 0 : i32
      %dma_start3A_61 = tpu.memref_slice %arg7[%while3A_60, %dma_start3A] : memref<72x128xi32, #tpu.memory_space<vmem>> -> memref<1x128xi32, #tpu.memory_space<vmem>>
      %dma_start3A_62 = tpu.memref_squeeze %dma_start3A_61 : memref<1x128xi32, #tpu.memory_space<vmem>> -> memref<128xi32, #tpu.memory_space<vmem>>
      %dma_start3A_63 = arith.constant 0 : i32
      %dma_start3A_64 = arith.constant 0 : i32
      %dma_start3A_65 = tpu.memref_slice %arg2[%dma_start3A_63, %dma_start3A_64] : memref<10240x128xf32, #tpu.memory_space<hbm>> -> memref<10240x128xf32, #tpu.memory_space<hbm>>
      tpu.enqueue_indirect_dma source(%dma_start3A_65 : memref<10240x128xf32, #tpu.memory_space<hbm>>) target(%arg9 : memref<128x128xf32, #tpu.memory_space<vmem>>) offsets(%dma_start3A_62 : memref<128xi32, #tpu.memory_space<vmem>>) semaphore(%arg11 : memref<!tpu.dma_semaphore, #tpu.memory_space<semaphore_mem>>)
      %dma_wait3A = arith.constant 0 : i32
      %dma_wait3A_66 = tpu.memref_slice %arg7[%while3A_60, %dma_wait3A] : memref<72x128xi32, #tpu.memory_space<vmem>> -> memref<1x128xi32, #tpu.memory_space<vmem>>
      %dma_wait3A_67 = tpu.memref_squeeze %dma_wait3A_66 : memref<1x128xi32, #tpu.memory_space<vmem>> -> memref<128xi32, #tpu.memory_space<vmem>>
      %dma_wait3A_68 = arith.constant 0 : i32
      %dma_wait3A_69 = arith.constant 0 : i32
      %dma_wait3A_70 = tpu.memref_slice %arg2[%dma_wait3A_68, %dma_wait3A_69] : memref<10240x128xf32, #tpu.memory_space<hbm>> -> memref<10240x128xf32, #tpu.memory_space<hbm>>
      tpu.wait_indirect_dma semaphore(%arg11 : memref<!tpu.dma_semaphore, #tpu.memory_space<semaphore_mem>>) src(%dma_wait3A_70 : memref<10240x128xf32, #tpu.memory_space<hbm>>) dst(%arg9 : memref<128x128xf32, #tpu.memory_space<vmem>>)
      "tpu.region"() ({
        %run_scoped3A = tpu.sem_alloc : memref<!tpu.dma_semaphore, #tpu.memory_space<semaphore_mem>>
        %dma_start3A_71 = arith.constant 0 : i32
        %dma_start3A_72 = tpu.memref_slice %arg8[%while3A_60, %dma_start3A_71] : memref<72x128xi32, #tpu.memory_space<vmem>> -> memref<1x128xi32, #tpu.memory_space<vmem>>
        %dma_start3A_73 = tpu.memref_squeeze %dma_start3A_72 : memref<1x128xi32, #tpu.memory_space<vmem>> -> memref<128xi32, #tpu.memory_space<vmem>>
        %dma_start3A_74 = arith.constant 0 : i32
        %dma_start3A_75 = arith.constant 0 : i32
        %dma_start3A_76 = tpu.memref_slice %arg10[%dma_start3A_74, %dma_start3A_75] : memref<10000x128xf32, #tpu.memory_space<vmem_shared>> -> memref<10000x128xf32, #tpu.memory_space<vmem_shared>>
        tpu.enqueue_indirect_dma source(%arg9 : memref<128x128xf32, #tpu.memory_space<vmem>>) target(%dma_start3A_76 : memref<10000x128xf32, #tpu.memory_space<vmem_shared>>) offsets(%dma_start3A_73 : memref<128xi32, #tpu.memory_space<vmem>>) semaphore(%run_scoped3A : memref<!tpu.dma_semaphore, #tpu.memory_space<semaphore_mem>>) {add = true}
        %dma_wait3A_77 = arith.constant 0 : i32
        %dma_wait3A_78 = tpu.memref_slice %arg8[%while3A_60, %dma_wait3A_77] : memref<72x128xi32, #tpu.memory_space<vmem>> -> memref<1x128xi32, #tpu.memory_space<vmem>>
        %dma_wait3A_79 = tpu.memref_squeeze %dma_wait3A_78 : memref<1x128xi32, #tpu.memory_space<vmem>> -> memref<128xi32, #tpu.memory_space<vmem>>
        %dma_wait3A_80 = arith.constant 0 : i32
        %dma_wait3A_81 = arith.constant 0 : i32
        %dma_wait3A_82 = tpu.memref_slice %arg10[%dma_wait3A_80, %dma_wait3A_81] : memref<10000x128xf32, #tpu.memory_space<vmem_shared>> -> memref<10000x128xf32, #tpu.memory_space<vmem_shared>>
        tpu.wait_indirect_dma semaphore(%run_scoped3A : memref<!tpu.dma_semaphore, #tpu.memory_space<semaphore_mem>>) src(%arg9 : memref<128x128xf32, #tpu.memory_space<vmem>>) dst(%dma_wait3A_82 : memref<10000x128xf32, #tpu.memory_space<vmem_shared>>)
        tpu.yield
      }) : () -> ()
    }
    %while3A_48 = arith.constant 1 : i32
    scf.for %while3A_60 = %while3A_46 to %while3A_42 step %while3A_48  : i32 {
      %dma_start3A = arith.constant 0 : i32
      %dma_start3A_61 = tpu.memref_slice %arg7[%while3A_60, %dma_start3A] : memref<72x128xi32, #tpu.memory_space<vmem>> -> memref<1x128xi32, #tpu.memory_space<vmem>>
      %dma_start3A_62 = tpu.memref_squeeze %dma_start3A_61 : memref<1x128xi32, #tpu.memory_space<vmem>> -> memref<128xi32, #tpu.memory_space<vmem>>
      %dma_start3A_63 = arith.constant 0 : i32
      %dma_start3A_64 = arith.constant 0 : i32
      %dma_start3A_65 = tpu.memref_slice %arg2[%dma_start3A_63, %dma_start3A_64] : memref<10240x128xf32, #tpu.memory_space<hbm>> -> memref<10240x128xf32, #tpu.memory_space<hbm>>
      tpu.enqueue_indirect_dma source(%dma_start3A_65 : memref<10240x128xf32, #tpu.memory_space<hbm>>) target(%arg9 : memref<128x128xf32, #tpu.memory_space<vmem>>) offsets(%dma_start3A_62 : memref<128xi32, #tpu.memory_space<vmem>>) semaphore(%arg11 : memref<!tpu.dma_semaphore, #tpu.memory_space<semaphore_mem>>)
      %dma_wait3A = arith.constant 0 : i32
      %dma_wait3A_66 = tpu.memref_slice %arg7[%while3A_60, %dma_wait3A] : memref<72x128xi32, #tpu.memory_space<vmem>> -> memref<1x128xi32, #tpu.memory_space<vmem>>
      %dma_wait3A_67 = tpu.memref_squeeze %dma_wait3A_66 : memref<1x128xi32, #tpu.memory_space<vmem>> -> memref<128xi32, #tpu.memory_space<vmem>>
      %dma_wait3A_68 = arith.constant 0 : i32
      %dma_wait3A_69 = arith.constant 0 : i32
      %dma_wait3A_70 = tpu.memref_slice %arg2[%dma_wait3A_68, %dma_wait3A_69] : memref<10240x128xf32, #tpu.memory_space<hbm>> -> memref<10240x128xf32, #tpu.memory_space<hbm>>
      tpu.wait_indirect_dma semaphore(%arg11 : memref<!tpu.dma_semaphore, #tpu.memory_space<semaphore_mem>>) src(%dma_wait3A_70 : memref<10240x128xf32, #tpu.memory_space<hbm>>) dst(%arg9 : memref<128x128xf32, #tpu.memory_space<vmem>>)
      "tpu.region"() ({
        %run_scoped3A = tpu.sem_alloc : memref<!tpu.dma_semaphore, #tpu.memory_space<semaphore_mem>>
        %dma_start3A_71 = arith.constant 0 : i32
        %dma_start3A_72 = tpu.memref_slice %arg8[%while3A_60, %dma_start3A_71] : memref<72x128xi32, #tpu.memory_space<vmem>> -> memref<1x128xi32, #tpu.memory_space<vmem>>
        %dma_start3A_73 = tpu.memref_squeeze %dma_start3A_72 : memref<1x128xi32, #tpu.memory_space<vmem>> -> memref<128xi32, #tpu.memory_space<vmem>>
        %dma_start3A_74 = arith.constant 0 : i32
        %dma_start3A_75 = arith.constant 0 : i32
        %dma_start3A_76 = tpu.memref_slice %arg10[%dma_start3A_74, %dma_start3A_75] : memref<10000x128xf32, #tpu.memory_space<vmem_shared>> -> memref<10000x128xf32, #tpu.memory_space<vmem_shared>>
        tpu.enqueue_indirect_dma source(%arg9 : memref<128x128xf32, #tpu.memory_space<vmem>>) target(%dma_start3A_76 : memref<10000x128xf32, #tpu.memory_space<vmem_shared>>) offsets(%dma_start3A_73 : memref<128xi32, #tpu.memory_space<vmem>>) semaphore(%run_scoped3A : memref<!tpu.dma_semaphore, #tpu.memory_space<semaphore_mem>>) {add = true}
        %dma_wait3A_77 = arith.constant 0 : i32
        %dma_wait3A_78 = tpu.memref_slice %arg8[%while3A_60, %dma_wait3A_77] : memref<72x128xi32, #tpu.memory_space<vmem>> -> memref<1x128xi32, #tpu.memory_space<vmem>>
        %dma_wait3A_79 = tpu.memref_squeeze %dma_wait3A_78 : memref<1x128xi32, #tpu.memory_space<vmem>> -> memref<128xi32, #tpu.memory_space<vmem>>
        %dma_wait3A_80 = arith.constant 0 : i32
        %dma_wait3A_81 = arith.constant 0 : i32
        %dma_wait3A_82 = tpu.memref_slice %arg10[%dma_wait3A_80, %dma_wait3A_81] : memref<10000x128xf32, #tpu.memory_space<vmem_shared>> -> memref<10000x128xf32, #tpu.memory_space<vmem_shared>>
        tpu.wait_indirect_dma semaphore(%run_scoped3A : memref<!tpu.dma_semaphore, #tpu.memory_space<semaphore_mem>>) src(%arg9 : memref<128x128xf32, #tpu.memory_space<vmem>>) dst(%dma_wait3A_82 : memref<10000x128xf32, #tpu.memory_space<vmem_shared>>)
        tpu.yield
      }) : () -> ()
    }
    %barrier3A_49 = arith.constant 0 : index
    tpu.barrier barrier_id(%barrier3A_49)
    %lt3A_50 = arith.constant 15 : i32
    %lt3A_51 = arith.cmpi slt, %arg1, %lt3A_50 : i32
    %convert_element_type3A_52 = arith.extui %lt3A_51 : i1 to i32
    %cond3A_53 = arith.constant 0 : i32
    %cond3A_54 = arith.cmpi ne, %convert_element_type3A_52, %cond3A_53 : i32
    scf.if %cond3A_54 {
      %mul3A_60 = arith.constant 624 : i32
      %mul3A_61 = arith.muli %arg1, %mul3A_60 : i32
      %mul3A_62 = arith.constant 624 : i32
      %mul3A_63 = arith.muli %arg1, %mul3A_62 : i32
      "tpu.region"() ({
        %run_scoped3A = tpu.sem_alloc : memref<!tpu.dma_semaphore, #tpu.memory_space<semaphore_mem>>
        %dma_start3A = arith.constant 0 : i32
        %dma_start3A_64 = tpu.memref_slice %arg6[%arg0, %mul3A_63, %dma_start3A] : memref<2x10000x128xf32, #tpu.memory_space<hbm>> -> memref<1x624x128xf32, #tpu.memory_space<hbm>>
        %dma_start3A_65 = tpu.memref_squeeze %dma_start3A_64 : memref<1x624x128xf32, #tpu.memory_space<hbm>> -> memref<624x128xf32, #tpu.memory_space<hbm>>
        %dma_start3A_66 = arith.constant 0 : i32
        %dma_start3A_67 = tpu.memref_slice %arg10[%mul3A_61, %dma_start3A_66] : memref<10000x128xf32, #tpu.memory_space<vmem_shared>> -> memref<624x128xf32, #tpu.memory_space<vmem_shared>>
        tpu.enqueue_dma source(%dma_start3A_67 : memref<624x128xf32, #tpu.memory_space<vmem_shared>>) target(%dma_start3A_65 : memref<624x128xf32, #tpu.memory_space<hbm>>) target_semaphore(%run_scoped3A : memref<!tpu.dma_semaphore, #tpu.memory_space<semaphore_mem>>)
        %dma_wait3A = arith.constant 0 : i32
        %dma_wait3A_68 = tpu.memref_slice %arg6[%arg0, %mul3A_63, %dma_wait3A] : memref<2x10000x128xf32, #tpu.memory_space<hbm>> -> memref<1x624x128xf32, #tpu.memory_space<hbm>>
        %dma_wait3A_69 = tpu.memref_squeeze %dma_wait3A_68 : memref<1x624x128xf32, #tpu.memory_space<hbm>> -> memref<624x128xf32, #tpu.memory_space<hbm>>
        %dma_wait3A_70 = arith.constant 0 : i32
        %dma_wait3A_71 = tpu.memref_slice %arg10[%mul3A_61, %dma_wait3A_70] : memref<10000x128xf32, #tpu.memory_space<vmem_shared>> -> memref<624x128xf32, #tpu.memory_space<vmem_shared>>
        tpu.wait_dma2 semaphore(%run_scoped3A : memref<!tpu.dma_semaphore, #tpu.memory_space<semaphore_mem>>) src(%dma_wait3A_71 : memref<624x128xf32, #tpu.memory_space<vmem_shared>>) dst(%dma_wait3A_69 : memref<624x128xf32, #tpu.memory_space<hbm>>)
        tpu.yield
      }) : () -> ()
    } else {
    }
    %eq3A_55 = arith.constant 15 : i32
    %eq3A_56 = arith.cmpi eq, %arg1, %eq3A_55 : i32
    %convert_element_type3A_57 = arith.extui %eq3A_56 : i1 to i32
    %cond3A_58 = arith.constant 0 : i32
    %cond3A_59 = arith.cmpi ne, %convert_element_type3A_57, %cond3A_58 : i32
    scf.if %cond3A_59 {
      "tpu.region"() ({
        %run_scoped3A = tpu.sem_alloc : memref<!tpu.dma_semaphore, #tpu.memory_space<semaphore_mem>>
        %dma_start3A = arith.constant 9360 : i32
        %dma_start3A_60 = arith.constant 0 : i32
        %dma_start3A_61 = tpu.memref_slice %arg6[%arg0, %dma_start3A, %dma_start3A_60] : memref<2x10000x128xf32, #tpu.memory_space<hbm>> -> memref<1x640x128xf32, #tpu.memory_space<hbm>>
        %dma_start3A_62 = tpu.memref_squeeze %dma_start3A_61 : memref<1x640x128xf32, #tpu.memory_space<hbm>> -> memref<640x128xf32, #tpu.memory_space<hbm>>
        %dma_start3A_63 = arith.constant 9360 : i32
        %dma_start3A_64 = arith.constant 0 : i32
        %dma_start3A_65 = tpu.memref_slice %arg10[%dma_start3A_63, %dma_start3A_64] : memref<10000x128xf32, #tpu.memory_space<vmem_shared>> -> memref<640x128xf32, #tpu.memory_space<vmem_shared>>
        tpu.enqueue_dma source(%dma_start3A_65 : memref<640x128xf32, #tpu.memory_space<vmem_shared>>) target(%dma_start3A_62 : memref<640x128xf32, #tpu.memory_space<hbm>>) target_semaphore(%run_scoped3A : memref<!tpu.dma_semaphore, #tpu.memory_space<semaphore_mem>>)
        %dma_wait3A = arith.constant 9360 : i32
        %dma_wait3A_66 = arith.constant 0 : i32
        %dma_wait3A_67 = tpu.memref_slice %arg6[%arg0, %dma_wait3A, %dma_wait3A_66] : memref<2x10000x128xf32, #tpu.memory_space<hbm>> -> memref<1x640x128xf32, #tpu.memory_space<hbm>>
        %dma_wait3A_68 = tpu.memref_squeeze %dma_wait3A_67 : memref<1x640x128xf32, #tpu.memory_space<hbm>> -> memref<640x128xf32, #tpu.memory_space<hbm>>
        %dma_wait3A_69 = arith.constant 9360 : i32
        %dma_wait3A_70 = arith.constant 0 : i32
        %dma_wait3A_71 = tpu.memref_slice %arg10[%dma_wait3A_69, %dma_wait3A_70] : memref<10000x128xf32, #tpu.memory_space<vmem_shared>> -> memref<640x128xf32, #tpu.memory_space<vmem_shared>>
        tpu.wait_dma2 semaphore(%run_scoped3A : memref<!tpu.dma_semaphore, #tpu.memory_space<semaphore_mem>>) src(%dma_wait3A_71 : memref<640x128xf32, #tpu.memory_space<vmem_shared>>) dst(%dma_wait3A_68 : memref<640x128xf32, #tpu.memory_space<hbm>>)
        tpu.yield
      }) : () -> ()
    } else {
    }
    return
  }
}

module attributes {stable_mosaic.version = 14 : i64} {
  func.func @_matmul_body(%arg0: i32, %arg1: memref<1024x128xf32, #tpu.memory_space<vmem>>, %arg2: memref<128x128xf32, #tpu.memory_space<vmem>>, %arg3: memref<1024x128xf32, #tpu.memory_space<vmem>>) attributes {dimension_semantics = [#tpu.dimension_semantics<arbitrary>], iteration_bounds = array<i64: 10>, scalar_prefetch = 0 : i64, scratch_operands = 0 : i64, tpu.core_type = #tpu.core_type<tc>, window_params = [{transform_indices = @transform_0, window_bounds = array<i64: 1024, 128>}, {pipeline_mode = #tpu.pipeline_mode<synchronous>, transform_indices = @transform_1, window_bounds = array<i64: 128, 128>}, {transform_indices = @transform_2, window_bounds = array<i64: 1024, 128>}]} {
    %get3A = arith.constant 0 : index
    %get3A_0 = arith.constant 0 : index
    %get3A_1 = vector.load %arg1[%get3A, %get3A_0] : memref<1024x128xf32, #tpu.memory_space<vmem>>, vector<1024x128xf32>
    %get3A_2 = arith.constant 0 : index
    %get3A_3 = arith.constant 0 : index
    %get3A_4 = vector.load %arg2[%get3A_2, %get3A_3] : memref<128x128xf32, #tpu.memory_space<vmem>>, vector<128x128xf32>
    %dot_general3A = arith.constant dense<0.000000e+00> : vector<1024x128xf32>
    %dot_general3A_5 = tpu.matmul %get3A_1, %get3A_4, %dot_general3A {dimension_numbers = #tpu.dot_dimension_numbers<[1], [0], [0], [1], [0, 0, 1, 1], [], []>, transpose_lhs_hint = false} : vector<1024x128xf32>, vector<128x128xf32>, vector<1024x128xf32> -> vector<1024x128xf32>
    %swap3A = arith.constant 0 : index
    %swap3A_6 = arith.constant 0 : index
    %swap3A_7 = vector.load %arg3[%swap3A, %swap3A_6] : memref<1024x128xf32, #tpu.memory_space<vmem>>, vector<1024x128xf32>
    tpu.vector_store %arg3[%swap3A, %swap3A_6], %dot_general3A_5 {strides = array<i32>} : memref<1024x128xf32, #tpu.memory_space<vmem>>, vector<1024x128xf32>,
    return
  }
  func.func @transform_0(%arg0: i32) -> (i32, i32) {
    %c0_i32 = arith.constant 0 : i32
    %c0_i32_0 = arith.constant 0 : i32
    return %arg0, %c0_i32 : i32, i32
  }
  func.func @transform_1(%arg0: i32) -> (i32, i32) {
    %c0_i32 = arith.constant 0 : i32
    %c0_i32_0 = arith.constant 0 : i32
    %c0_i32_1 = arith.constant 0 : i32
    return %c0_i32, %c0_i32_0 : i32, i32
  }
  func.func @transform_2(%arg0: i32) -> (i32, i32) {
    %c0_i32 = arith.constant 0 : i32
    %c0_i32_0 = arith.constant 0 : i32
    return %arg0, %c0_i32 : i32, i32
  }
}

module attributes {stable_mosaic.version = 14 : i64} {
  func.func @_combine_body(%arg0: i32, %arg1: memref<2x1000x128xf32, #tpu.memory_space<vmem>>, %arg2: memref<128xf32, #tpu.memory_space<vmem>>, %arg3: memref<1000x128xf32, #tpu.memory_space<vmem>>) attributes {dimension_semantics = [#tpu.dimension_semantics<arbitrary>], iteration_bounds = array<i64: 10>, scalar_prefetch = 0 : i64, scratch_operands = 0 : i64, tpu.core_type = #tpu.core_type<tc>, window_params = [{transform_indices = @transform_0, window_bounds = array<i64: 2, 1000, 128>}, {pipeline_mode = #tpu.pipeline_mode<synchronous>, transform_indices = @transform_1, window_bounds = array<i64: 128>}, {transform_indices = @transform_2, window_bounds = array<i64: 1000, 128>}]} {
    %get3A = arith.constant 0 : index
    %get3A_0 = arith.constant 0 : index
    %get3A_1 = arith.constant 0 : index
    %get3A_2 = vector.load %arg1[%get3A, %get3A_0, %get3A_1] : memref<2x1000x128xf32, #tpu.memory_space<vmem>>, vector<1x1000x128xf32>
    %get3A_3 = vector.shape_cast %get3A_2 : vector<1x1000x128xf32> to vector<1000x128xf32>
    %get3A_4 = arith.constant 1 : index
    %get3A_5 = arith.constant 0 : index
    %get3A_6 = arith.constant 0 : index
    %get3A_7 = vector.load %arg1[%get3A_4, %get3A_5, %get3A_6] : memref<2x1000x128xf32, #tpu.memory_space<vmem>>, vector<1x1000x128xf32>
    %get3A_8 = vector.shape_cast %get3A_7 : vector<1x1000x128xf32> to vector<1000x128xf32>
    %add3A = arith.addf %get3A_3, %get3A_8 : vector<1000x128xf32>
    %get3A_9 = arith.constant 0 : index
    %get3A_10 = vector.load %arg2[%get3A_9] : memref<128xf32, #tpu.memory_space<vmem>>, vector<128xf32>
    %broadcast_in_dim3A = vector.shape_cast %get3A_10 : vector<128xf32> to vector<1x128xf32>
    %add3A_11 = vector.broadcast %broadcast_in_dim3A : vector<1x128xf32> to vector<1000x128xf32>
    %add3A_12 = arith.addf %add3A, %add3A_11 : vector<1000x128xf32>
    %max3A = arith.constant 0.000000e+00 : f32
    %max3A_13 = vector.broadcast %max3A : f32 to vector<1000x128xf32>
    %max3A_14 = arith.maximumf %add3A_12, %max3A_13 : vector<1000x128xf32>
    %swap3A = arith.constant 0 : index
    %swap3A_15 = arith.constant 0 : index
    %swap3A_16 = vector.load %arg3[%swap3A, %swap3A_15] : memref<1000x128xf32, #tpu.memory_space<vmem>>, vector<1000x128xf32>
    tpu.vector_store %arg3[%swap3A, %swap3A_15], %max3A_14 {strides = array<i32>} : memref<1000x128xf32, #tpu.memory_space<vmem>>, vector<1000x128xf32>,
    return
  }
  func.func @transform_0(%arg0: i32) -> (i32, i32, i32) {
    %c0_i32 = arith.constant 0 : i32
    %c0_i32_0 = arith.constant 0 : i32
    %c0_i32_1 = arith.constant 0 : i32
    return %c0_i32, %arg0, %c0_i32_0 : i32, i32, i32
  }
  func.func @transform_1(%arg0: i32) -> i32 {
    %c0_i32 = arith.constant 0 : i32
    %c0_i32_0 = arith.constant 0 : i32
    return %c0_i32 : i32
  }
  func.func @transform_2(%arg0: i32) -> (i32, i32) {
    %c0_i32 = arith.constant 0 : i32
    %c0_i32_0 = arith.constant 0 : i32
    return %arg0, %c0_i32 : i32, i32
  }
}

</mosaic_0001>

<sc_bundles>
// kernel: kernel.5.cloned.1.call-start
scs
__scs_entry_jumppad:
0x0: {  	(pc) =	sbr.rel $0x88, $3  }
0x1: {  	(tag) =	ssettag $0x0;
	lr =	simm.s32 $0x1  }
0x2: {  	[smem:$0x3F9D] =	sst lr;
	_ =	strace $0xD0000000  }
0x3: {  	_ = 	snop  }
0x4: {  	_ = 	snop  }
0x5: {  	_ = 	snop  }
0x6: {  	_ = 	snop  }
0x7: {  	_ = 	snop  }
__scs_overlays_trampoline_lowered:
0x8: {  	[smem:$0x3FAC] =	sst s0  }
0x9: {  	[smem:$0x3FAD] =	sst s1  }
0xa: {  	[smem:$0x3FAE] =	sst s2  }
0xb: {  	[smem:$0x3FAF] =	sst s3  }
0xc: {  	[smem:$0x3FB0] =	sst s4  }
0xd: {  	[smem:$0x3FB1] =	sst s5  }
0xe: {  	[smem:$0x3FB2] =	sst s6  }
0xf: {  	[smem:$0x3FB3] =	sst s7  }
0x10: {  	[smem:$0x3FB4] =	sst s8  }
0x11: {  	[smem:$0x3FB5] =	sst s9;
	s0 =	simm.s32 @!p0 $0x0  }
0x12: {  	s1 =	sld [smem:$0x3F9B];
	s0 =	simm.s32 @p0 $0x1  }
0x13: {  	[smem:$0x3FB6] =	sst s0;
	s0 =	simm.s32 @!p1 $0x0  }
0x14: {  	s2 =	sld [smem:$0x3F9A];
	s0 =	simm.s32 @p1 $0x1  }
0x15: {  	[smem:$0x3FB7] =	sst s0;
	s0 =	simm.s32 @!p2 $0x0  }
0x16: {  	s3 =	sld [smem:$0x3FDB];
	s0 =	simm.s32 @p2 $0x1  }
0x17: {  	s4 =	simm.s32 $0x1BF5;
	[smem:$0x3FB9] =	sst s0  }
0x18: {  	s0 =	sld [smem:$0x3F9C];
	_ =	swait.ge [sflag:s4], $0x0  }
0x19: {  	s7 =	sld [smem:$0x3F9D]  }
0x1a: {  	s8 =	sadd.s32 $0xFFFFE003, lr  }
0x1b: {  	s9 =	sadd.s32 $0xFFFFFEF7, lr;
	s5 =	simm.s32 $0xFFFFFFFF;
	p2 =	slt.u32 s8, $0xFFFFF086  }
0x1c: {  	p1 =	slt.u32 s9, $0xF7A;
	s5 =	simm.s32 @!p2 $0x0  }
0x1d: {  	s5 =	simm.s32 @p1 $0x1;
	p0 =	seq.s32 s7, s2  }
0x1e: {  	s7 =	smul.u32 @!p0 $0xF7A, s2;
	p2 =	seq.s32 @!p0 s5, $0x0  }
0x1f: {  	s9 =	smul.u32 $0xF7A, s1;
	s8 =	simm.s32 @!p0 $0x1BF5;
	p2 =	por !p2, p0  }
0x20: {  	[sflag:s8] =	ssyncset.s32 @!p0 $0xFFFFF086;
	s6 =	sadd.s32 @!p0 s3, s7;
	s7 =	simm.s32 @!p0 $0x108  }
0x21: {  	s3 =	sadd.s32 s3, s9;
	s6 =	sadd.s32 @!p0 $0x88, s6;
	s7 =	simm.s32 @p2 $0x1082  }
0x22: {  	[simem:s7], [sflag:s8] =	dma.local @!p0 [hbm:s6], $0xF7A  }
0x23: {  	s9 =	sor.u32 $0xD0000000, s2;
	s6 =	simm.s32 $0x108;
	_ =	swait.ge @!p0 [sflag:s8], $0x0  }
0x24: {  	s3 =	sadd.s32 $0x88, s3;
	s6 =	simm.s32 @!p1 $0x1082;
	[sflag:s4] =	ssyncset.s32 $0xFFFFF086  }
0x25: {  	[simem:s6], [sflag:s4] =	dma.local [hbm:s3], $0xF7A  }
0x26: {  	[smem:$0x3F9D] =	sst s1;
	(tag) =	ssettag s2;
	_ =	strace s9  }
0x27: {  	s1 =	sld [smem:$0x3FAD]  }
0x28: {  	s2 =	sld [smem:$0x3FAE]  }
0x29: {  	s4 =	sld [smem:$0x3FB0]  }
0x2a: {  	p0 =	seq.s32 s5, $0x0;
	s5 =	sld [smem:$0x3FB1]  }
0x2b: {  	s6 =	sld [smem:$0x3FB2]  }
0x2c: {  	s7 =	sld [smem:$0x3FB3]  }
0x2d: {  	s3 =	simm.s32 $0x108;
	s8 =	sld [smem:$0x3FB4]  }
0x2e: {  	s3 =	simm.s32 @!p0 $0x1082;
	s9 =	sld [smem:$0x3FB5]  }
0x2f: {  	lr =	sadd.s32 s0, s3;
	s0 =	sld [smem:$0x3FAC]  }
0x30: {  	s3 =	sld [smem:$0x3FAF]  }
0x31: {  	[smem:$0x3FB8] =	sst s10  }
0x32: {  	s10 =	sld [smem:$0x3FB6];
	_ =	sdelay $0x3  }
0x33: {  	p0 =	seq.s32 s10, $0x1;
	s10 =	sld [smem:$0x3FB8];
	_ =	sdelay $0x3  }
0x34: {  	[smem:$0x3FB8] =	sst s10  }
0x35: {  	s10 =	sld [smem:$0x3FB7];
	_ =	sdelay $0x3  }
0x36: {  	p1 =	seq.s32 s10, $0x1;
	s10 =	sld [smem:$0x3FB8];
	_ =	sdelay $0x3  }
0x37: {  	[smem:$0x3FB8] =	sst s10  }
0x38: {  	s10 =	sld [smem:$0x3FB9]  }
0x39: {  	_ = 	snop;
	(pc) =	sbr.ind lr, $3  }
0x3a: {  	_ = 	snop  }
0x3b: {  	_ = 	snop  }
0x3c: {  	p2 =	seq.s32 s10, $0x1;
	s10 =	sld [smem:$0x3FB8]  }
0x3d: {  	_ =	shalt  }
0x3e: {  	_ =	shalt  }
0x3f: {  	_ =	shalt  }
0x40: {  	_ =	shalt  }
0x41: {  	_ =	shalt  }
0x42: {  	_ =	shalt  }
0x43: {  	_ =	shalt  }
0x44: {  	_ =	shalt  }
0x45: {  	_ =	shalt  }
0x46: {  	_ =	shalt  }
0x47: {  	_ =	shalt  }
0x48: {  	_ =	shalt  }
0x49: {  	_ =	shalt  }
0x4a: {  	_ =	shalt  }
0x4b: {  	_ =	shalt  }
0x4c: {  	_ =	shalt  }
0x4d: {  	_ =	shalt  }
0x4e: {  	_ =	shalt  }
0x4f: {  	_ =	shalt  }
0x50: {  	_ =	shalt  }
0x51: {  	_ =	shalt  }
0x52: {  	_ =	shalt  }
0x53: {  	_ =	shalt  }
0x54: {  	_ =	shalt  }
0x55: {  	_ =	shalt  }
0x56: {  	_ =	shalt  }
0x57: {  	_ =	shalt  }
0x58: {  	_ =	shalt  }
0x59: {  	_ =	shalt  }
0x5a: {  	_ =	shalt  }
0x5b: {  	_ =	shalt  }
0x5c: {  	_ =	shalt  }
0x5d: {  	_ =	shalt  }
0x5e: {  	_ =	shalt  }
0x5f: {  	_ =	shalt  }
0x60: {  	_ =	shalt  }
0x61: {  	_ =	shalt  }
0x62: {  	_ =	shalt  }
0x63: {  	_ =	shalt  }
0x64: {  	_ =	shalt  }
0x65: {  	_ =	shalt  }
0x66: {  	_ =	shalt  }
0x67: {  	_ =	shalt  }
0x68: {  	_ =	shalt  }
0x69: {  	_ =	shalt  }
0x6a: {  	_ =	shalt  }
0x6b: {  	_ =	shalt  }
0x6c: {  	_ =	shalt  }
0x6d: {  	_ =	shalt  }
0x6e: {  	_ =	shalt  }
0x6f: {  	_ =	shalt  }
0x70: {  	_ =	shalt  }
0x71: {  	_ =	shalt  }
0x72: {  	_ =	shalt  }
0x73: {  	_ =	shalt  }
0x74: {  	_ =	shalt  }
0x75: {  	_ =	shalt  }
0x76: {  	_ =	shalt  }
0x77: {  	_ =	shalt  }
0x78: {  	_ =	shalt  }
0x79: {  	_ =	shalt  }
0x7a: {  	_ =	shalt  }
0x7b: {  	_ =	shalt  }
0x7c: {  	_ =	shalt  }
0x7d: {  	_ =	shalt  }
0x7e: {  	_ =	shalt  }
0x7f: {  	_ =	shalt  }
0x80: {  	_ =	shalt  }
0x81: {  	_ =	shalt  }
0x82: {  	_ =	shalt  }
0x83: {  	_ =	shalt  }
0x84: {  	_ =	shalt  }
0x85: {  	_ =	shalt  }
0x86: {  	_ =	shalt  }
0x87: {  	_ =	shalt  }
.Lfunc_end0:
.L_simem_size_0:
called_computation_lowered:
.L_overlay_start_0:
0x88: {  	s2 =	sld [smem:$0x3FD9]  }
0x89: {  	s3 =	sld [smem:$0x3FFE];
	_ =	sdelay $0x1  }
0x8a: {  	s1 =	srdreg.scid  }
0x8b: {  	s0 =	sand.u32 $0x1, s1  }
0x8c: {  	s17 =	sshll.u32 s0, $0xA;
	s2 =	sadd.s32 s3, s2  }
0x8d: {  	s2 =	sadd.s32 s2, s17  }
0x8e: {  	[smem:$0x3FC4] =	sst s2  }
0x8f: {  	_ = 	snop  }
0x90: {  	s2 =	sld [smem:$0x3FD0];
	(tm) =	ssettm $0x1  }
0x91: {  	s18 =	sld [smem:$0x3FFB];
	_ =	sdelay $0x3  }
0x92: {  	_ =	strace s18  }
0x93: {  	s3 =	sld [smem:$0x3FFC];
	_ =	sdelay $0x3  }
0x94: {  	_ =	strace s3  }
0x95: {  	s3 =	sld [smem:$0x3FFD];
	_ =	sdelay $0x3  }
0x96: {  	_ =	strace s3  }
0x97: {  	_ =	strace $0x8FFFFFFF  }
0x98: {  	s19 =	sld [smem:$0x3FDB];
	_ =	sdelay $0x1  }
0x99: {  	s4 =	simm.s32 $_scs_section_size  }
0x9a: {  	s5 =	simm.s32 $_size__tile_overlayer_lowered;
	s6 =	simm.s32 $_tile_overlayer_lowered  }
0x9b: {  	s22 =	simm.s32 $0x1BFF;
	s21 =	sshll.u32 s6, $0x1;
	s3 =	sadd.s32 s4, s19  }
0x9c: {  	s7 =	simm.s32 $0x0;
	s20 =	sshll.u32 s5, $0x1;
	s5 =	sadd.s32 s21, s3  }
0x9d: {  	[timem:s7], [sflag:s22] =	dma.local [hbm:s5], s20  }
0x9e: {  	_ =	swait.ge [sflag:s22], s20  }
0x9f: {  	s4 =	ssub.s32 $0x0, s20;
	[sflag:s22] =	ssyncset.done $0x0  }
0xa0: {  	[sflag:s22] =	ssyncadd.s32 s4;
	_ =	sdelay $0x1  }
0xa1: {  	s23 =	simm.s32 $0x1B8B  }
0xa2: {  	_ =	swait.ge [sflag:s23], $0x1  }
0xa3: {  	[sflag:s23] =	ssyncset.done $0x0  }
0xa4: {  	s25 =	simm.s32 $0x1B8E;
	s24 =	sld [smem:$0x3FFE];
	[sflag:s23] =	ssyncadd.s32 $0xFFFFFFFF  }
0xa5: {  	s26 =	simm.s32 $execute0_lowered;
	[smem:$0x3FD2] =	sst s25  }
0xa6: {  	s5 =	sshll.u32 s26, $0x1;
	_ =	strace $0x80000046;
	[dreg:$0x1] =	wrdreg $0xFFFFFFFF  }
0xa7: {  	s28 =	simm.s32 $_size_execute0_lowered;
	s3 =	sadd.s32 s3, s5;
	[dreg:$0x0] =	wrdreg $0x0  }
0xa8: {  	s5 =	sshll.u32 s28, $0x1;
	[dreg:$0x2] =	wrdreg s3  }
0xa9: {  	[dreg:$0x3] =	wrdreg s5  }
0xaa: {  	[dreg:$0x4] =	wrdreg $0xC0  }
0xab: {  	_ =	task [dreg:s7], $0x5FFFF  }
0xac: {  	[dreg:$0x1] =	wrdreg $0xFFFFFFFF  }
0xad: {  	[dreg:$0x0] =	wrdreg $0x60  }
0xae: {  	[dreg:$0x2] =	wrdreg s24  }
0xaf: {  	[dreg:$0x3] =	wrdreg s2  }
0xb0: {  	[dreg:$0x4] =	wrdreg $0x88000  }
0xb1: {  	[dreg:$0x5] =	wrdreg $0x9  }
0xb2: {  	_ =	task.clear_ibuf [dreg:s7], $0x6FFFF;
	_ =	strace $0x90000046  }
0xb3: {  	s29 =	simm.s32 $0x9;
	_ =	strace $0x80000048  }
0xb4: {  	_ =	swait.ge [sflag:s29], $0x1  }
0xb5: {  	[sflag:s29] =	ssyncadd.s32 $0xFFFFFFFF  }
0xb6: {  	_ =	strace $0x90000048  }
0xb7: {  	_ =	sfence  }
0xb8: {  	s30 =	sld [smem:$0x0];
	_ =	sdelay $0x2  }
0xb9: {  	s31 =	sshll.u32 s1, $0xD;
	s1 =	sshrl.u32 s1, $0x2  }
0xba: {  	s3 =	sand.u32 $0x4000, s31;
	s1 =	sadd.s32 s1, s30  }
0xbb: {  	s0 =	sor.u32 s3, s0;
	s1 =	sshll.u32 s1, $0x11  }
0xbc: {  	s0 =	sor.u32 s1, s0  }
0xbd: {  	s0 =	sadd.s32 $0x8F2B, s0  }
0xbe: {  	[sflag:s0] =	ssyncadd.remote.s32 $0x1  }
0xbf: {  	_ =	sfence.sel $0xFFFF  }
0xc0: {  	[dreg:$0x0] =	wrdreg $0xFFFFFFFF;
	(pc) =	sbr.abs _section_cstart, $3  }
0xc1: {  	[dreg:$0x1] =	wrdreg $0xFFFFFFFF  }
0xc2: {  	_ =	task.clear_ibuf [dreg:s7], $0x2FFFF;
	_ =	strace $0x9FFFFFFF  }
0xc3: {  	(tm) =	ssettm $0x7FFFFFFF  }
tec
execute0_lowered:
.L_overlay_start_1:
0x0: {  	(tag) =	ssettag $0x1  }
0x1: {  	s0 =	rddreg [dreg:$0x0]  }
0x2: {  	s7 =	rddreg [dreg:$0x1]  }
0x3: {  	s1 =	rddreg [dreg:$0x2];
	s2 =	simm.s32 $0x0  }
0x4: {  	s5 =	srdreg.scid;
	s3 =	stileid.u32;
	s20 =	simm.s32 $0x80  }
0x5: {  	s21 =	simm.s32 $0x4800;
	s22 =	simm.s32 $0x1;
	s29 =	simm.s32 $0x2780  }
0x6: {  	s30 =	simm.s32 $0x0;
	[smem:$0x7FF] =	sst s2;
	s4 =	sadd.s32 $0x37200, s0  }
0x7: {  	s13 =	sadd.s32 $0x1200, s0;
	s14 =	sadd.s32 $0x1C200, s0;
	s6 =	smul.u32 $0x4E000, s3  }
0x8: {  	s23 =	sand.u32 $0x1, s5;
	s9 =	smul.u32 $0x2700, s3;
	s18 =	sadd.s32 $0x124800, s1  }
0x9: {  	s0 =	sadd.s32 $0x5F200, s0;
	s19 =	smul.u32 $0x13800, s3;
	_ =	strace $0x80000047  }
0xa: {  	s5 =	sshll.u32 s23, $0x4;
	s8 =	ssub.s32 $0x2, s23;
	p0 =	seq.s32 s23, $0x0  }
0xb: {  	s16 =	smul.u32 $0x138800, s23;
	p1 =	sne.s32 s23, $0x0;
	s23 =	simm.s32 $0x2400  }
0xc: {  	s5 =	sor.u32 s3, s5;
	s10 =	sshrl.u32 s8, $0x1;
	s6 =	sshrl.u32 s6, $0x2  }
0xd: {  	s11 =	smul.u32 $0x6C00, s5;
	s17 =	ssub.s32 s8, s10;
	s5 =	sadd.s32 s6, s1  }
0xe: {  	s6 =	sadd.s32 s7, s9;
	s7 =	sadd.s32 $0x24900, s7;
	s9 =	simm.s32 $0x48  }
0xf: {  	s19 =	sadd.s32 s19, s16;
	s16 =	sshrl.u32 s16, $0x3;
	s9 =	simm.s32 @!p0 $0x8  }
0x10: {  	s19 =	sshrl.u32 s19, $0x3;
	s17 =	smax.u32 s17, $0x1;
	s15 =	sshrl.u32 s11, $0x3  }
.Ltmp0:
0x11: {  	p0 =	seq.s32 s3, $0xF;
	s8 =	sadd.s32 s13, s15;
	(pc) =	sbr.rel .LBB2_1-.Ltmp0, $4  }
0x12: {  	s12 =	sadd.s32 $0x480, s15;
	s10 =	sadd.s32 s14, s15;
	s15 =	sadd.s32 $0x900, s15  }
0x13: {  	s11 =	sadd.s32 s13, s12;
	s12 =	sadd.s32 s14, s12;
	s13 =	sadd.s32 s13, s15  }
0x14: {  	s14 =	sadd.s32 s14, s15;
	s15 =	sadd.s32 s0, s19;
	s0 =	sadd.s32 s0, s16  }
0x15: {  	s18 =	sshrl.u32 @p0 s18, $0x3;
	s19 =	simm.s32 $0x2;
	s16 =	sadd.s32 $0x24900, s0  }
.LBB2_9:
0x16: {  	[bflag:$0x0] =	sbarrier.arrive $0xFFFF;
	s24 =	simm.s32 @p0 $0x1FC2  }
0x17: {  	[hbm:s16], [sflag:s24] =	dma.local @p0 [spmem:s18], $0x2800  }
0x18: {  	s24 =	simm.s32 @p0 $0x2  }
0x19: {  	_ =	swait.ge @p0 [sflag:s24], $0x2800  }
0x1a: {  	s30 =	sadd.s32 $0x1, s30;
	[sflag:s24] =	ssyncset.done @p0 $0x0  }
0x1b: {  	p2 =	sne.s32 s30, s17;
	[sflag:s24] =	ssyncadd.s32 @p0 $0xFFFFD800  }
0x1c: {  	[hbm:s15], [sflag:s31] =	dma.local @!p0 [spmem:s0], $0x2700  }
.Ltmp1:
0x1d: {  	_ = 	snop;
	(pc) =	sbr.rel @!p2 .LBB2_10-.Ltmp1, $4  }
0x1e: {  	s0 =	simm.s32 @!p0 $0x2  }
0x1f: {  	_ =	swait.ge @!p0 [sflag:s0], $0x2700  }
0x20: {  	[sflag:s0] =	ssyncset.done @!p0 $0x0  }
0x21: {  	[sflag:s0] =	ssyncadd.s32 @!p0 $0xFFFFD900  }
.LBB2_1:
0x22: {  	s0 =	simm.s32 @p0 $0x1FC2  }
0x23: {  	[spmem:s18], [sflag:s0] =	dma.local @p0 [hbm:s7], $0x2800  }
0x24: {  	s0 =	simm.s32 @p0 $0x2  }
0x25: {  	s24 =	sshll.u32 @!p0 s3, $0x6;
	_ =	swait.ge @p0 [sflag:s0], $0x2800  }
0x26: {  	s31 =	sor.u32 @!p0 $0x1C02, s24;
	[sflag:s0] =	ssyncset.done @p0 $0x0  }
0x27: {  	s24 =	simm.s32 @!p0 $0x2;
	[sflag:s0] =	ssyncadd.s32 @p0 $0xFFFFD800;
	s0 =	sshrl.u32 @!p0 s5, $0x3  }
0x28: {  	[spmem:s0], [sflag:s31] =	dma.local @!p0 [hbm:s6], $0x2700  }
0x29: {  	_ =	swait.ge @!p0 [sflag:s24], $0x2700  }
0x2a: {  	[sflag:s24] =	ssyncset.done @!p0 $0x0  }
0x2b: {  	[sflag:s24] =	ssyncadd.s32 @!p0 $0xFFFFD900  }
0x2c: {  	[bflag:$0x0] =	sbarrier.arrive $0xFFFF  }
0x2d: {  	[tilespmem:s2], [sflag:$0x2] =	stream.linear.gather [hbm4b:s8+s2], $0x2400, $0x38;
	[tilespmem:$0x1C080] =	vst v63  }
0x2e: {  	_ =	swait.ge [sflag:s19], $0x2400  }
0x2f: {  	[sflag:s19] =	ssyncset.done $0x0  }
0x30: {  	[sflag:s19] =	ssyncadd.s32 $0xFFFFDC00  }
0x31: {  	[tilespmem:s23], [sflag:$0x2] =	stream.linear.gather [hbm4b:s10+s2], $0x2400, $0x38;
	[tilespmem:$0x1C080] =	vst v63  }
0x32: {  	_ =	swait.ge [sflag:s19], $0x2400  }
0x33: {  	[sflag:s19] =	ssyncset.done $0x0  }
0x34: {  	[sflag:s19] =	ssyncadd.s32 $0xFFFFDC00  }
0x35: {  	[tilespmem:s21], [sflag:$0x1] =	stream.indirect.gather [hbm4b:s4+s20], $0x80, s2, s20, $0xb8;
	[tilespmem:$0x1C080] =	vst v63  }
0x36: {  	p2 =	sne.s32 s9, $0x1;
	_ =	swait.ge [sflag:s22], $0x4000  }
.Ltmp2:
0x37: {  	[sflag:s22] =	ssyncset.done $0x0;
	(pc) =	sbr.rel @!p2 .LBB2_3-.Ltmp2, $4  }
0x38: {  	[sflag:s22] =	ssyncadd.s32 $0xFFFFC000  }
0x39: {  	[spmem:s1] =	stream.indirect.scatter.add.f32 [tilespmem:s21], [sflag:$0x2], $0x80, s23, s20, $0xb8;
	[tilespmem:$0x1C080] =	vst v63  }
0x3a: {  	s25 =	simm.s32 $0x0;
	_ =	swait.ge [sflag:s19], $0x4000  }
0x3b: {  	s26 =	simm.s32 $0x2400;
	s24 =	sadd.s32 $0xFFFFFFFF, s9;
	[sflag:s19] =	ssyncset.done $0x0  }
.LBB2_2:
0x3c: {  	[sflag:s19] =	ssyncadd.s32 $0xFFFFC000;
	s25 =	sadd.s32 $0x80, s25;
	s26 =	sadd.s32 $0x80, s26  }
0x3d: {  	[tilespmem:s21], [sflag:$0x1] =	stream.indirect.gather [hbm4b:s4+s20], $0x80, s25, s20, $0xb8;
	[tilespmem:$0x1C080] =	vst v63  }
0x3e: {  	p2 =	sne.s32 s24, $0x1;
	s24 =	sadd.s32 $0xFFFFFFFF, s24;
	_ =	swait.ge [sflag:s22], $0x4000  }
.Ltmp3:
0x3f: {  	[sflag:s22] =	ssyncset.done $0x0;
	(pc) =	sbr.rel @p2 .LBB2_2-.Ltmp3, $4  }
0x40: {  	[sflag:s22] =	ssyncadd.s32 $0xFFFFC000  }
0x41: {  	[spmem:s1] =	stream.indirect.scatter.add.f32 [tilespmem:s21], [sflag:$0x2], $0x80, s26, s20, $0xb8;
	[tilespmem:$0x1C080] =	vst v63  }
0x42: {  	_ =	swait.ge [sflag:s19], $0x4000  }
0x43: {  	[sflag:s19] =	ssyncset.done $0x0  }
.LBB2_3:
0x44: {  	[sflag:s19] =	ssyncadd.s32 $0xFFFFC000;
	s24 =	simm.s32 $0x0  }
0x45: {  	[tilespmem:s24], [sflag:$0x2] =	stream.linear.gather [hbm4b:s11+s24], $0x2400, $0x38;
	[tilespmem:$0x1C080] =	vst v63  }
0x46: {  	_ =	swait.ge [sflag:s19], $0x2400  }
0x47: {  	[sflag:s19] =	ssyncset.done $0x0  }
.Ltmp4:
0x48: {  	[sflag:s19] =	ssyncadd.s32 $0xFFFFDC00;
	(pc) =	sbr.rel @p1 .LBB2_7-.Ltmp4, $4  }
0x49: {  	[tilespmem:s23], [sflag:$0x2] =	stream.linear.gather [hbm4b:s12+s24], $0x2400, $0x38;
	[tilespmem:$0x1C080] =	vst v63  }
0x4a: {  	_ =	swait.ge [sflag:s19], $0x2400  }
0x4b: {  	[sflag:s19] =	ssyncset.done $0x0  }
0x4c: {  	[sflag:s19] =	ssyncadd.s32 $0xFFFFDC00  }
0x4d: {  	s24 =	simm.s32 $0x0  }
0x4e: {  	[tilespmem:s21], [sflag:$0x1] =	stream.indirect.gather [hbm4b:s4+s20], $0x80, s24, s20, $0xb8;
	[tilespmem:$0x1C080] =	vst v63  }
0x4f: {  	_ =	swait.ge [sflag:s22], $0x4000  }
0x50: {  	[sflag:s22] =	ssyncset.done $0x0  }
0x51: {  	s28 =	simm.s32 $0x2400;
	[sflag:s22] =	ssyncadd.s32 $0xFFFFC000  }
0x52: {  	[spmem:s1] =	stream.indirect.scatter.add.f32 [tilespmem:s21], [sflag:$0x2], $0x80, s28, s20, $0xb8;
	[tilespmem:$0x1C080] =	vst v63  }
0x53: {  	_ =	swait.ge [sflag:s19], $0x4000  }
0x54: {  	s25 =	simm.s32 $0x400;
	s24 =	simm.s32 $0x200;
	[sflag:s19] =	ssyncset.done $0x0  }
.LBB2_5:
0x55: {  	s26 =	sshra.s32 s24, $0x2  }
0x56: {  	[sflag:s19] =	ssyncadd.s32 $0xFFFFC000;
	s24 =	smov.u32 s25;
	s28 =	sadd.s32 $0x200, s25  }
0x57: {  	[tilespmem:s21], [sflag:$0x1] =	stream.indirect.gather [hbm4b:s4+s20], $0x80, s26, s20, $0xb8;
	[tilespmem:$0x1C080] =	vst v63  }
0x58: {  	p2 =	sne.s32 s25, $0x8E00;
	_ =	swait.ge [sflag:s22], $0x4000  }
.Ltmp5:
0x59: {  	[sflag:s22] =	ssyncset.done $0x0;
	(pc) =	sbr.rel @p2 .LBB2_5-.Ltmp5, $4  }
0x5a: {  	s25 =	sadd.s32 $0x2400, s26;
	[sflag:s22] =	ssyncadd.s32 $0xFFFFC000  }
0x5b: {  	[spmem:s1] =	stream.indirect.scatter.add.f32 [tilespmem:s21], [sflag:$0x2], $0x80, s25, s20, $0xb8;
	[tilespmem:$0x1C080] =	vst v63  }
0x5c: {  	_ =	swait.ge [sflag:s19], $0x4000  }
0x5d: {  	s25 =	smov.u32 s28;
	[sflag:s19] =	ssyncset.done $0x0  }
0x5e: {  	s24 =	sshra.s32 s24, $0x2;
	[sflag:s19] =	ssyncadd.s32 $0xFFFFC000  }
0x5f: {  	[tilespmem:s21], [sflag:$0x1] =	stream.indirect.gather [hbm4b:s4+s20], $0x80, s24, s20, $0xb8;
	[tilespmem:$0x1C080] =	vst v63  }
0x60: {  	_ =	swait.ge [sflag:s22], $0x4000  }
0x61: {  	[sflag:s22] =	ssyncset.done $0x0  }
0x62: {  	s24 =	sadd.s32 $0x2400, s24;
	[sflag:s22] =	ssyncadd.s32 $0xFFFFC000  }
0x63: {  	[spmem:s1] =	stream.indirect.scatter.add.f32 [tilespmem:s21], [sflag:$0x2], $0x80, s24, s20, $0xb8;
	[tilespmem:$0x1C080] =	vst v63  }
0x64: {  	_ =	swait.ge [sflag:s19], $0x4000  }
0x65: {  	[sflag:s19] =	ssyncset.done $0x0  }
0x66: {  	[sflag:s19] =	ssyncadd.s32 $0xFFFFC000  }
.LBB2_7:
0x67: {  	[tilespmem:s2], [sflag:$0x2] =	stream.linear.gather [hbm4b:s13+s2], $0x2400, $0x38;
	[tilespmem:$0x1C080] =	vst v63  }
0x68: {  	_ =	swait.ge [sflag:s19], $0x2400  }
0x69: {  	[sflag:s19] =	ssyncset.done $0x0  }
.Ltmp6:
0x6a: {  	[sflag:s19] =	ssyncadd.s32 $0xFFFFDC00;
	(pc) =	sbr.rel @p1 .LBB2_9-.Ltmp6, $4  }
0x6b: {  	[tilespmem:s23], [sflag:$0x2] =	stream.linear.gather [hbm4b:s14+s2], $0x2400, $0x38;
	[tilespmem:$0x1C080] =	vst v63  }
0x6c: {  	_ =	swait.ge [sflag:s19], $0x2400  }
0x6d: {  	[sflag:s19] =	ssyncset.done $0x0  }
0x6e: {  	[sflag:s19] =	ssyncadd.s32 $0xFFFFDC00  }
0x6f: {  	[tilespmem:s21], [sflag:$0x1] =	stream.indirect.gather [hbm4b:s4+s20], $0x80, s2, s20, $0xb8;
	[tilespmem:$0x1C080] =	vst v63  }
0x70: {  	_ =	swait.ge [sflag:s22], $0x4000  }
0x71: {  	[sflag:s22] =	ssyncset.done $0x0  }
0x72: {  	[sflag:s22] =	ssyncadd.s32 $0xFFFFC000  }
0x73: {  	[spmem:s1] =	stream.indirect.scatter.add.f32 [tilespmem:s21], [sflag:$0x2], $0x80, s23, s20, $0xb8;
	[tilespmem:$0x1C080] =	vst v63  }
0x74: {  	_ =	swait.ge [sflag:s19], $0x4000  }
0x75: {  	[sflag:s19] =	ssyncset.done $0x0  }
0x76: {  	[sflag:s19] =	ssyncadd.s32 $0xFFFFC000  }
0x77: {  	[tilespmem:s21], [sflag:$0x1] =	stream.indirect.gather [hbm4b:s4+s20], $0x80, s20, s20, $0xb8;
	[tilespmem:$0x1C080] =	vst v63  }
0x78: {  	_ =	swait.ge [sflag:s22], $0x4000  }
0x79: {  	[sflag:s22] =	ssyncset.done $0x0  }
0x7a: {  	s24 =	simm.s32 $0x2480;
	[sflag:s22] =	ssyncadd.s32 $0xFFFFC000  }
0x7b: {  	[spmem:s1] =	stream.indirect.scatter.add.f32 [tilespmem:s21], [sflag:$0x2], $0x80, s24, s20, $0xb8;
	[tilespmem:$0x1C080] =	vst v63  }
0x7c: {  	_ =	swait.ge [sflag:s19], $0x4000  }
0x7d: {  	[sflag:s19] =	ssyncset.done $0x0  }
0x7e: {  	s26 =	simm.s32 $0x100;
	[sflag:s19] =	ssyncadd.s32 $0xFFFFC000  }
0x7f: {  	[tilespmem:s21], [sflag:$0x1] =	stream.indirect.gather [hbm4b:s4+s20], $0x80, s26, s20, $0xb8;
	[tilespmem:$0x1C080] =	vst v63  }
0x80: {  	_ =	swait.ge [sflag:s22], $0x4000  }
0x81: {  	[sflag:s22] =	ssyncset.done $0x0  }
0x82: {  	s28 =	simm.s32 $0x2500;
	[sflag:s22] =	ssyncadd.s32 $0xFFFFC000  }
0x83: {  	[spmem:s1] =	stream.indirect.scatter.add.f32 [tilespmem:s21], [sflag:$0x2], $0x80, s28, s20, $0xb8;
	[tilespmem:$0x1C080] =	vst v63  }
0x84: {  	_ =	swait.ge [sflag:s19], $0x4000  }
0x85: {  	[sflag:s19] =	ssyncset.done $0x0  }
0x86: {  	s25 =	simm.s32 $0x180;
	[sflag:s19] =	ssyncadd.s32 $0xFFFFC000  }
0x87: {  	[tilespmem:s21], [sflag:$0x1] =	stream.indirect.gather [hbm4b:s4+s20], $0x80, s25, s20, $0xb8;
	[tilespmem:$0x1C080] =	vst v63  }
0x88: {  	_ =	swait.ge [sflag:s22], $0x4000  }
0x89: {  	[sflag:s22] =	ssyncset.done $0x0  }
0x8a: {  	s26 =	simm.s32 $0x2580;
	[sflag:s22] =	ssyncadd.s32 $0xFFFFC000  }
0x8b: {  	[spmem:s1] =	stream.indirect.scatter.add.f32 [tilespmem:s21], [sflag:$0x2], $0x80, s26, s20, $0xb8;
	[tilespmem:$0x1C080] =	vst v63  }
0x8c: {  	_ =	swait.ge [sflag:s19], $0x4000  }
0x8d: {  	[sflag:s19] =	ssyncset.done $0x0  }
0x8e: {  	s28 =	simm.s32 $0x200;
	[sflag:s19] =	ssyncadd.s32 $0xFFFFC000  }
0x8f: {  	[tilespmem:s21], [sflag:$0x1] =	stream.indirect.gather [hbm4b:s4+s20], $0x80, s28, s20, $0xb8;
	[tilespmem:$0x1C080] =	vst v63  }
0x90: {  	_ =	swait.ge [sflag:s22], $0x4000  }
0x91: {  	[sflag:s22] =	ssyncset.done $0x0  }
0x92: {  	s25 =	simm.s32 $0x2600;
	[sflag:s22] =	ssyncadd.s32 $0xFFFFC000  }
0x93: {  	[spmem:s1] =	stream.indirect.scatter.add.f32 [tilespmem:s21], [sflag:$0x2], $0x80, s25, s20, $0xb8;
	[tilespmem:$0x1C080] =	vst v63  }
0x94: {  	_ =	swait.ge [sflag:s19], $0x4000  }
0x95: {  	[sflag:s19] =	ssyncset.done $0x0  }
0x96: {  	s26 =	simm.s32 $0x280;
	[sflag:s19] =	ssyncadd.s32 $0xFFFFC000  }
0x97: {  	[tilespmem:s21], [sflag:$0x1] =	stream.indirect.gather [hbm4b:s4+s20], $0x80, s26, s20, $0xb8;
	[tilespmem:$0x1C080] =	vst v63  }
0x98: {  	_ =	swait.ge [sflag:s22], $0x4000  }
0x99: {  	[sflag:s22] =	ssyncset.done $0x0  }
0x9a: {  	s28 =	simm.s32 $0x2680;
	[sflag:s22] =	ssyncadd.s32 $0xFFFFC000  }
0x9b: {  	[spmem:s1] =	stream.indirect.scatter.add.f32 [tilespmem:s21], [sflag:$0x2], $0x80, s28, s20, $0xb8;
	[tilespmem:$0x1C080] =	vst v63  }
0x9c: {  	_ =	swait.ge [sflag:s19], $0x4000  }
0x9d: {  	[sflag:s19] =	ssyncset.done $0x0  }
0x9e: {  	s25 =	simm.s32 $0x300;
	[sflag:s19] =	ssyncadd.s32 $0xFFFFC000  }
0x9f: {  	[tilespmem:s21], [sflag:$0x1] =	stream.indirect.gather [hbm4b:s4+s20], $0x80, s25, s20, $0xb8;
	[tilespmem:$0x1C080] =	vst v63  }
0xa0: {  	_ =	swait.ge [sflag:s22], $0x4000  }
0xa1: {  	[sflag:s22] =	ssyncset.done $0x0  }
0xa2: {  	s26 =	simm.s32 $0x2700;
	[sflag:s22] =	ssyncadd.s32 $0xFFFFC000  }
0xa3: {  	[spmem:s1] =	stream.indirect.scatter.add.f32 [tilespmem:s21], [sflag:$0x2], $0x80, s26, s20, $0xb8;
	[tilespmem:$0x1C080] =	vst v63  }
0xa4: {  	_ =	swait.ge [sflag:s19], $0x4000  }
0xa5: {  	[sflag:s19] =	ssyncset.done $0x0  }
0xa6: {  	s28 =	simm.s32 $0x380;
	[sflag:s19] =	ssyncadd.s32 $0xFFFFC000  }
0xa7: {  	[tilespmem:s21], [sflag:$0x1] =	stream.indirect.gather [hbm4b:s4+s20], $0x80, s28, s20, $0xb8;
	[tilespmem:$0x1C080] =	vst v63  }
0xa8: {  	_ =	swait.ge [sflag:s22], $0x4000  }
0xa9: {  	[sflag:s22] =	ssyncset.done $0x0  }
.Ltmp7:
0xaa: {  	[sflag:s22] =	ssyncadd.s32 $0xFFFFC000;
	(pc) =	sbr.rel .LBB2_9-.Ltmp7, $4  }
0xab: {  	[spmem:s1] =	stream.indirect.scatter.add.f32 [tilespmem:s21], [sflag:$0x2], $0x80, s29, s20, $0xb8;
	[tilespmem:$0x1C080] =	vst v63  }
0xac: {  	_ =	swait.ge [sflag:s19], $0x4000  }
0xad: {  	[sflag:s19] =	ssyncset.done $0x0  }
0xae: {  	[sflag:s19] =	ssyncadd.s32 $0xFFFFC000  }
.LBB2_10:
0xaf: {  	_ =	sfence.sel $0x180000  }
0xb0: {  	[bflag:$0x0] =	sbarrier.arrive $0xFFFF  }
0xb1: {  	_ =	strace $0x90000047  }
0xb2: {  	[bflag:$0x2] =	sbarrier.arrive $0xFFFF  }
0xb3: {  	p0 =	sne.s32 s3, $0x0;
	s0 =	rddreg [dreg:$0x3]  }
0xb4: {  	s0 =	sadd.s32 @!p0 $0x100000, s0  }
0xb5: {  	[sflag:s0] =	ssyncadd.tile.s32 @!p0 $0x1;
	_ =	shalt  }
.Lfunc_end2:
_tile_overlayer_lowered:
.L_overlay_start_2:
0xb6: {  	(tag) =	ssettag $0x2  }
0xb7: {  	s0 =	rddreg [dreg:$0x0];
	s2 =	stileid.u32  }
0xb8: {  	s1 =	rddreg [dreg:$0x1];
	p0 =	sne.s32 s2, $0x0  }
0xb9: {  	s3 =	rddreg [dreg:$0x2];
	[bflag:$0x3] =	sbarrier.arrive $0xFFFF;
	s2 =	simm.s32 @!p0 $0x1C02  }
0xba: {  	[timem:s3], [sflag:s2] =	dma.local @!p0 [hbm:s0], s1  }
0xbb: {  	s0 =	simm.s32 @!p0 $0x2  }
0xbc: {  	_ =	swait.ge @!p0 [sflag:s0], s1  }
0xbd: {  	s1 =	ssub.s32 @!p0 $0x0, s1;
	[sflag:s0] =	ssyncset.done @!p0 $0x0  }
0xbe: {  	[sflag:s0] =	ssyncadd.s32 @!p0 s1  }
0xbf: {  	[bflag:$0x3] =	sbarrier.arrive $0xFFFF  }
0xc0: {  	_ =	shalt  }

</sc_bundles>
